<compile_context>
chip_gen: v7x
topology: tpu7x:2x2x1
jax: 0.10.2.dev20260603
libtpu: 0.0.44.dev20260713+nightly
codegen_flags: <defaults>
</compile_context>

<pallas_src>
import jax
import jax.numpy as jnp
from jax import lax
from jax.experimental import pallas as pl
from jax.experimental.pallas import tpu as pltpu
from jax.experimental.pallas import tpu_sc as plsc

_ROWS = 32768
_E = 64
_K = 8
_NC = 2
_NS = 16
_NW = _NC * _NS
_RPW = _ROWS // _NW
_TB = _ROWS // 128
_BPW = _TB // _NW


def _router_body(x_hbm, w_hbm, i_hbm, x_v, w_v, i_v):
    wid = lax.axis_index("s") * _NC + lax.axis_index("c")
    jbase = wid * _BPW
    for a in range(8):
        pltpu.sync_copy(x_hbm.at[a, pl.ds(jbase, _BPW)],
                        x_v.at[a, :, :, pl.ds(0, 128)])

    lane = lax.iota(jnp.int32, 16)
    lo_mask = lane < _K
    rot8 = (lane + _K) & 15
    ie = lane & 7
    ia = [(lane >> 3) + 2 * g for g in range(4)]
    gidx = [lane + 16 * g for g in range(4)]

    def merge(a, b):
        ka, va = a
        kb, vb = b
        kbr = jnp.take_along_axis(kb, rot8, axis=0)
        vbr = jnp.take_along_axis(vb, rot8, axis=0)
        mk = jnp.where(lo_mask, ka, kbr)
        mv = jnp.where(lo_mask, va, vbr)
        return plsc.sort_key_val(mk, mv, descending=True)

    @plsc.parallel_loop(0, _RPW, unroll=2)
    def row(r):
        j = jnp.broadcast_to(r >> 7, (16,)).astype(jnp.int32)
        c = jnp.broadcast_to(r & 127, (16,)).astype(jnp.int32)
        es = [jnp.exp(plsc.load_gather(x_v, [ia[g], j, ie, c]))
              for g in range(4)]
        s = jnp.sum(es[0] + es[1] + es[2] + es[3])
        groups = [plsc.sort_key_val(es[g], gidx[g], descending=True)
                  for g in range(4)]
        fk, fv = merge(merge(groups[0], groups[1]),
                       merge(groups[2], groups[3]))
        plsc.store_scatter(w_v, [j, lane, c], fk / s, mask=lo_mask)
        plsc.store_scatter(i_v, [j, lane, c], fv, mask=lo_mask)

    pltpu.sync_copy(w_v.at[:, :, pl.ds(0, 128)], w_hbm.at[pl.ds(jbase, _BPW)])
    pltpu.sync_copy(i_v.at[:, :, pl.ds(0, 128)], i_hbm.at[pl.ds(jbase, _BPW)])


def _make_router():
    mesh = plsc.VectorSubcoreMesh(core_axis_name="c", subcore_axis_name="s",
                                  num_cores=_NC, num_subcores=_NS)
    return pl.kernel(
        _router_body,
        out_type=[jax.ShapeDtypeStruct((_TB, _K, 128), jnp.float32),
                  jax.ShapeDtypeStruct((_TB, _K, 128), jnp.int32)],
        mesh=mesh,
        scratch_types=[pltpu.VMEM((8, _BPW, 8, 129), jnp.float32),
                       pltpu.VMEM((_BPW, _K, 129), jnp.float32),
                       pltpu.VMEM((_BPW, _K, 129), jnp.int32)],
        compiler_params=pltpu.CompilerParams(needs_layout_passes=False,
                                             use_tc_tiling_on_sc=False),
    )


@jax.jit
def kernel(logits):
    x4 = logits.T.reshape(8, 8, _TB, 128).transpose(0, 2, 1, 3)
    w3, i3 = _make_router()(x4)
    w = w3.transpose(0, 2, 1).reshape(_ROWS, _K)
    i = i3.transpose(0, 2, 1).reshape(_ROWS, _K)
    return w, i

# --- scband reference (transcript-rebuilt; emitter-appended) ---
"""Pipeline reference for scband-top-krouter-22780506538653 (READ-ONLY COPY).

The authoritative reference and input builder live on the scoring server;
editing this copy changes nothing except your own understanding.
"""

import jax, jax.numpy as jnp
import numpy as np


def setup_inputs(seed: int = 0) -> dict:
    key = jax.random.key(seed)
    logits = jax.random.normal(key, (32768, 64), dtype=jnp.float32)
    return {"logits": logits}


def reference(logits):
    # TopKRouter.forward: softmax over experts, then top-k weights + indices
    probs = jax.nn.softmax(logits, axis=-1)
    weights, indices = jax.lax.top_k(probs, k=8)
    return (weights, indices)

if __name__ == "__main__":
    import jax
    _d = setup_inputs()
    print(jax.jit(kernel)(*tuple(_d.values())))

</pallas_src>

<mosaic_0001>
#map = affine_map<(d0, d1) -> (0, 0, 0, 0)>
#map1 = affine_map<(d0, d1) -> (0, 0, 0)>
module attributes {stable_mosaic.version = 14 : i64} {
  func.func @_router_body(%arg0: i32, %arg1: i32, %arg2: memref<8x256x8x128xf32, #tpu.memory_space<hbm>>, %arg3: memref<256x8x128xf32, #tpu.memory_space<hbm>>, %arg4: memref<256x8x128xi32, #tpu.memory_space<hbm>>, %arg5: memref<8x8x8x129xf32, #tpu.memory_space<vmem>>, %arg6: memref<8x8x129xf32, #tpu.memory_space<vmem>>, %arg7: memref<8x8x129xi32, #tpu.memory_space<vmem>>) attributes {dimension_semantics = [#tpu.dimension_semantics<core_parallel>, #tpu.dimension_semantics<subcore_parallel>], iteration_bounds = array<i64: 2, 16>, scalar_prefetch = 0 : i64, scratch_operands = 3 : i64, tpu.core_type = #tpu.core_type<sc_vector_subcore>, window_params = [{transform_indices = #map}, {transform_indices = #map1}, {transform_indices = #map1}]} {
    %mul3A = arith.constant 2 : i32
    %mul3A_0 = arith.muli %arg1, %mul3A : i32
    %add3A = arith.addi %mul3A_0, %arg0 : i32
    %mul3A_1 = arith.constant 8 : i32
    %mul3A_2 = arith.muli %add3A, %mul3A_1 : i32
    %run_scoped3A = arith.constant 0 : i32
    %run_scoped3A_3 = arith.constant 0 : i32
    "tpu.region"() ({
      %run_scoped3A_65 = tpu.sem_alloc : memref<!tpu.dma_semaphore, #tpu.memory_space<semaphore_mem>>
      %dma_start3A = arith.constant 0 : i32
      %dma_start3A_66 = arith.constant 0 : i32
      %dma_start3A_67 = arith.constant 0 : i32
      %dma_start3A_68 = tpu.memref_slice %arg5[%run_scoped3A_3, %dma_start3A, %dma_start3A_66, %dma_start3A_67] : memref<8x8x8x129xf32, #tpu.memory_space<vmem>> -> memref<1x8x8x128xf32, #tpu.memory_space<vmem>>
      %dma_start3A_69 = tpu.memref_squeeze %dma_start3A_68 : memref<1x8x8x128xf32, #tpu.memory_space<vmem>> -> memref<8x8x128xf32, #tpu.memory_space<vmem>>
      %dma_start3A_70 = arith.constant 0 : i32
      %dma_start3A_71 = arith.constant 0 : i32
      %dma_start3A_72 = tpu.memref_slice %arg2[%run_scoped3A, %mul3A_2, %dma_start3A_70, %dma_start3A_71] : memref<8x256x8x128xf32, #tpu.memory_space<hbm>> -> memref<1x8x8x128xf32, #tpu.memory_space<hbm>>
      %dma_start3A_73 = tpu.memref_squeeze %dma_start3A_72 : memref<1x8x8x128xf32, #tpu.memory_space<hbm>> -> memref<8x8x128xf32, #tpu.memory_space<hbm>>
      %dma_start3A_74 = arith.constant 0 : i32
      %dma_start3A_75 = arith.constant 0 : i32
      %dma_start3A_76 = arith.constant 0 : i32
      %dma_start3A_77 = tpu.memref_slice %arg5[%run_scoped3A_3, %dma_start3A_74, %dma_start3A_75, %dma_start3A_76] : memref<8x8x8x129xf32, #tpu.memory_space<vmem>> -> memref<1x8x8x128xf32, #tpu.memory_space<vmem>>
      %dma_start3A_78 = tpu.memref_squeeze %dma_start3A_77 : memref<1x8x8x128xf32, #tpu.memory_space<vmem>> -> memref<8x8x128xf32, #tpu.memory_space<vmem>>
      %dma_start3A_79 = arith.constant 0 : i32
      %dma_start3A_80 = arith.constant 0 : i32
      %dma_start3A_81 = tpu.memref_slice %arg2[%run_scoped3A, %mul3A_2, %dma_start3A_79, %dma_start3A_80] : memref<8x256x8x128xf32, #tpu.memory_space<hbm>> -> memref<1x8x8x128xf32, #tpu.memory_space<hbm>>
      %dma_start3A_82 = tpu.memref_squeeze %dma_start3A_81 : memref<1x8x8x128xf32, #tpu.memory_space<hbm>> -> memref<8x8x128xf32, #tpu.memory_space<hbm>>
      tpu.enqueue_dma source(%dma_start3A_82 : memref<8x8x128xf32, #tpu.memory_space<hbm>>) target(%dma_start3A_78 : memref<8x8x128xf32, #tpu.memory_space<vmem>>) target_semaphore(%run_scoped3A_65 : memref<!tpu.dma_semaphore, #tpu.memory_space<semaphore_mem>>)
      %dma_wait3A = arith.constant 0 : i32
      %dma_wait3A_83 = arith.constant 0 : i32
      %dma_wait3A_84 = arith.constant 0 : i32
      %dma_wait3A_85 = tpu.memref_slice %arg5[%run_scoped3A_3, %dma_wait3A, %dma_wait3A_83, %dma_wait3A_84] : memref<8x8x8x129xf32, #tpu.memory_space<vmem>> -> memref<1x8x8x128xf32, #tpu.memory_space<vmem>>
      %dma_wait3A_86 = tpu.memref_squeeze %dma_wait3A_85 : memref<1x8x8x128xf32, #tpu.memory_space<vmem>> -> memref<8x8x128xf32, #tpu.memory_space<vmem>>
      %dma_wait3A_87 = arith.constant 0 : i32
      %dma_wait3A_88 = arith.constant 0 : i32
      %dma_wait3A_89 = tpu.memref_slice %arg2[%run_scoped3A, %mul3A_2, %dma_wait3A_87, %dma_wait3A_88] : memref<8x256x8x128xf32, #tpu.memory_space<hbm>> -> memref<1x8x8x128xf32, #tpu.memory_space<hbm>>
      %dma_wait3A_90 = tpu.memref_squeeze %dma_wait3A_89 : memref<1x8x8x128xf32, #tpu.memory_space<hbm>> -> memref<8x8x128xf32, #tpu.memory_space<hbm>>
      %dma_wait3A_91 = arith.constant 0 : i32
      %dma_wait3A_92 = arith.constant 0 : i32
      %dma_wait3A_93 = arith.constant 0 : i32
      %dma_wait3A_94 = tpu.memref_slice %arg5[%run_scoped3A_3, %dma_wait3A_91, %dma_wait3A_92, %dma_wait3A_93] : memref<8x8x8x129xf32, #tpu.memory_space<vmem>> -> memref<1x8x8x128xf32, #tpu.memory_space<vmem>>
      %dma_wait3A_95 = tpu.memref_squeeze %dma_wait3A_94 : memref<1x8x8x128xf32, #tpu.memory_space<vmem>> -> memref<8x8x128xf32, #tpu.memory_space<vmem>>
      %dma_wait3A_96 = arith.constant 0 : i32
      %dma_wait3A_97 = arith.constant 0 : i32
      %dma_wait3A_98 = tpu.memref_slice %arg2[%run_scoped3A, %mul3A_2, %dma_wait3A_96, %dma_wait3A_97] : memref<8x256x8x128xf32, #tpu.memory_space<hbm>> -> memref<1x8x8x128xf32, #tpu.memory_space<hbm>>
      %dma_wait3A_99 = tpu.memref_squeeze %dma_wait3A_98 : memref<1x8x8x128xf32, #tpu.memory_space<hbm>> -> memref<8x8x128xf32, #tpu.memory_space<hbm>>
      tpu.wait_dma2 semaphore(%run_scoped3A_65 : memref<!tpu.dma_semaphore, #tpu.memory_space<semaphore_mem>>) src(%dma_wait3A_99 : memref<8x8x128xf32, #tpu.memory_space<hbm>>) dst(%dma_wait3A_95 : memref<8x8x128xf32, #tpu.memory_space<vmem>>)
      tpu.yield
    }) : () -> ()
    %run_scoped3A_4 = arith.constant 1 : i32
    %run_scoped3A_5 = arith.constant 1 : i32
    "tpu.region"() ({
      %run_scoped3A_65 = tpu.sem_alloc : memref<!tpu.dma_semaphore, #tpu.memory_space<semaphore_mem>>
      %dma_start3A = arith.constant 0 : i32
      %dma_start3A_66 = arith.constant 0 : i32
      %dma_start3A_67 = arith.constant 0 : i32
      %dma_start3A_68 = tpu.memref_slice %arg5[%run_scoped3A_5, %dma_start3A, %dma_start3A_66, %dma_start3A_67] : memref<8x8x8x129xf32, #tpu.memory_space<vmem>> -> memref<1x8x8x128xf32, #tpu.memory_space<vmem>>
      %dma_start3A_69 = tpu.memref_squeeze %dma_start3A_68 : memref<1x8x8x128xf32, #tpu.memory_space<vmem>> -> memref<8x8x128xf32, #tpu.memory_space<vmem>>
      %dma_start3A_70 = arith.constant 0 : i32
      %dma_start3A_71 = arith.constant 0 : i32
      %dma_start3A_72 = tpu.memref_slice %arg2[%run_scoped3A_4, %mul3A_2, %dma_start3A_70, %dma_start3A_71] : memref<8x256x8x128xf32, #tpu.memory_space<hbm>> -> memref<1x8x8x128xf32, #tpu.memory_space<hbm>>
      %dma_start3A_73 = tpu.memref_squeeze %dma_start3A_72 : memref<1x8x8x128xf32, #tpu.memory_space<hbm>> -> memref<8x8x128xf32, #tpu.memory_space<hbm>>
      %dma_start3A_74 = arith.constant 0 : i32
      %dma_start3A_75 = arith.constant 0 : i32
      %dma_start3A_76 = arith.constant 0 : i32
      %dma_start3A_77 = tpu.memref_slice %arg5[%run_scoped3A_5, %dma_start3A_74, %dma_start3A_75, %dma_start3A_76] : memref<8x8x8x129xf32, #tpu.memory_space<vmem>> -> memref<1x8x8x128xf32, #tpu.memory_space<vmem>>
      %dma_start3A_78 = tpu.memref_squeeze %dma_start3A_77 : memref<1x8x8x128xf32, #tpu.memory_space<vmem>> -> memref<8x8x128xf32, #tpu.memory_space<vmem>>
      %dma_start3A_79 = arith.constant 0 : i32
      %dma_start3A_80 = arith.constant 0 : i32
      %dma_start3A_81 = tpu.memref_slice %arg2[%run_scoped3A_4, %mul3A_2, %dma_start3A_79, %dma_start3A_80] : memref<8x256x8x128xf32, #tpu.memory_space<hbm>> -> memref<1x8x8x128xf32, #tpu.memory_space<hbm>>
      %dma_start3A_82 = tpu.memref_squeeze %dma_start3A_81 : memref<1x8x8x128xf32, #tpu.memory_space<hbm>> -> memref<8x8x128xf32, #tpu.memory_space<hbm>>
      tpu.enqueue_dma source(%dma_start3A_82 : memref<8x8x128xf32, #tpu.memory_space<hbm>>) target(%dma_start3A_78 : memref<8x8x128xf32, #tpu.memory_space<vmem>>) target_semaphore(%run_scoped3A_65 : memref<!tpu.dma_semaphore, #tpu.memory_space<semaphore_mem>>)
      %dma_wait3A = arith.constant 0 : i32
      %dma_wait3A_83 = arith.constant 0 : i32
      %dma_wait3A_84 = arith.constant 0 : i32
      %dma_wait3A_85 = tpu.memref_slice %arg5[%run_scoped3A_5, %dma_wait3A, %dma_wait3A_83, %dma_wait3A_84] : memref<8x8x8x129xf32, #tpu.memory_space<vmem>> -> memref<1x8x8x128xf32, #tpu.memory_space<vmem>>
      %dma_wait3A_86 = tpu.memref_squeeze %dma_wait3A_85 : memref<1x8x8x128xf32, #tpu.memory_space<vmem>> -> memref<8x8x128xf32, #tpu.memory_space<vmem>>
      %dma_wait3A_87 = arith.constant 0 : i32
      %dma_wait3A_88 = arith.constant 0 : i32
      %dma_wait3A_89 = tpu.memref_slice %arg2[%run_scoped3A_4, %mul3A_2, %dma_wait3A_87, %dma_wait3A_88] : memref<8x256x8x128xf32, #tpu.memory_space<hbm>> -> memref<1x8x8x128xf32, #tpu.memory_space<hbm>>
      %dma_wait3A_90 = tpu.memref_squeeze %dma_wait3A_89 : memref<1x8x8x128xf32, #tpu.memory_space<hbm>> -> memref<8x8x128xf32, #tpu.memory_space<hbm>>
      %dma_wait3A_91 = arith.constant 0 : i32
      %dma_wait3A_92 = arith.constant 0 : i32
      %dma_wait3A_93 = arith.constant 0 : i32
      %dma_wait3A_94 = tpu.memref_slice %arg5[%run_scoped3A_5, %dma_wait3A_91, %dma_wait3A_92, %dma_wait3A_93] : memref<8x8x8x129xf32, #tpu.memory_space<vmem>> -> memref<1x8x8x128xf32, #tpu.memory_space<vmem>>
      %dma_wait3A_95 = tpu.memref_squeeze %dma_wait3A_94 : memref<1x8x8x128xf32, #tpu.memory_space<vmem>> -> memref<8x8x128xf32, #tpu.memory_space<vmem>>
      %dma_wait3A_96 = arith.constant 0 : i32
      %dma_wait3A_97 = arith.constant 0 : i32
      %dma_wait3A_98 = tpu.memref_slice %arg2[%run_scoped3A_4, %mul3A_2, %dma_wait3A_96, %dma_wait3A_97] : memref<8x256x8x128xf32, #tpu.memory_space<hbm>> -> memref<1x8x8x128xf32, #tpu.memory_space<hbm>>
      %dma_wait3A_99 = tpu.memref_squeeze %dma_wait3A_98 : memref<1x8x8x128xf32, #tpu.memory_space<hbm>> -> memref<8x8x128xf32, #tpu.memory_space<hbm>>
      tpu.wait_dma2 semaphore(%run_scoped3A_65 : memref<!tpu.dma_semaphore, #tpu.memory_space<semaphore_mem>>) src(%dma_wait3A_99 : memref<8x8x128xf32, #tpu.memory_space<hbm>>) dst(%dma_wait3A_95 : memref<8x8x128xf32, #tpu.memory_space<vmem>>)
      tpu.yield
    }) : () -> ()
    %run_scoped3A_6 = arith.constant 2 : i32
    %run_scoped3A_7 = arith.constant 2 : i32
    "tpu.region"() ({
      %run_scoped3A_65 = tpu.sem_alloc : memref<!tpu.dma_semaphore, #tpu.memory_space<semaphore_mem>>
      %dma_start3A = arith.constant 0 : i32
      %dma_start3A_66 = arith.constant 0 : i32
      %dma_start3A_67 = arith.constant 0 : i32
      %dma_start3A_68 = tpu.memref_slice %arg5[%run_scoped3A_7, %dma_start3A, %dma_start3A_66, %dma_start3A_67] : memref<8x8x8x129xf32, #tpu.memory_space<vmem>> -> memref<1x8x8x128xf32, #tpu.memory_space<vmem>>
      %dma_start3A_69 = tpu.memref_squeeze %dma_start3A_68 : memref<1x8x8x128xf32, #tpu.memory_space<vmem>> -> memref<8x8x128xf32, #tpu.memory_space<vmem>>
      %dma_start3A_70 = arith.constant 0 : i32
      %dma_start3A_71 = arith.constant 0 : i32
      %dma_start3A_72 = tpu.memref_slice %arg2[%run_scoped3A_6, %mul3A_2, %dma_start3A_70, %dma_start3A_71] : memref<8x256x8x128xf32, #tpu.memory_space<hbm>> -> memref<1x8x8x128xf32, #tpu.memory_space<hbm>>
      %dma_start3A_73 = tpu.memref_squeeze %dma_start3A_72 : memref<1x8x8x128xf32, #tpu.memory_space<hbm>> -> memref<8x8x128xf32, #tpu.memory_space<hbm>>
      %dma_start3A_74 = arith.constant 0 : i32
      %dma_start3A_75 = arith.constant 0 : i32
      %dma_start3A_76 = arith.constant 0 : i32
      %dma_start3A_77 = tpu.memref_slice %arg5[%run_scoped3A_7, %dma_start3A_74, %dma_start3A_75, %dma_start3A_76] : memref<8x8x8x129xf32, #tpu.memory_space<vmem>> -> memref<1x8x8x128xf32, #tpu.memory_space<vmem>>
      %dma_start3A_78 = tpu.memref_squeeze %dma_start3A_77 : memref<1x8x8x128xf32, #tpu.memory_space<vmem>> -> memref<8x8x128xf32, #tpu.memory_space<vmem>>
      %dma_start3A_79 = arith.constant 0 : i32
      %dma_start3A_80 = arith.constant 0 : i32
      %dma_start3A_81 = tpu.memref_slice %arg2[%run_scoped3A_6, %mul3A_2, %dma_start3A_79, %dma_start3A_80] : memref<8x256x8x128xf32, #tpu.memory_space<hbm>> -> memref<1x8x8x128xf32, #tpu.memory_space<hbm>>
      %dma_start3A_82 = tpu.memref_squeeze %dma_start3A_81 : memref<1x8x8x128xf32, #tpu.memory_space<hbm>> -> memref<8x8x128xf32, #tpu.memory_space<hbm>>
      tpu.enqueue_dma source(%dma_start3A_82 : memref<8x8x128xf32, #tpu.memory_space<hbm>>) target(%dma_start3A_78 : memref<8x8x128xf32, #tpu.memory_space<vmem>>) target_semaphore(%run_scoped3A_65 : memref<!tpu.dma_semaphore, #tpu.memory_space<semaphore_mem>>)
      %dma_wait3A = arith.constant 0 : i32
      %dma_wait3A_83 = arith.constant 0 : i32
      %dma_wait3A_84 = arith.constant 0 : i32
      %dma_wait3A_85 = tpu.memref_slice %arg5[%run_scoped3A_7, %dma_wait3A, %dma_wait3A_83, %dma_wait3A_84] : memref<8x8x8x129xf32, #tpu.memory_space<vmem>> -> memref<1x8x8x128xf32, #tpu.memory_space<vmem>>
      %dma_wait3A_86 = tpu.memref_squeeze %dma_wait3A_85 : memref<1x8x8x128xf32, #tpu.memory_space<vmem>> -> memref<8x8x128xf32, #tpu.memory_space<vmem>>
      %dma_wait3A_87 = arith.constant 0 : i32
      %dma_wait3A_88 = arith.constant 0 : i32
      %dma_wait3A_89 = tpu.memref_slice %arg2[%run_scoped3A_6, %mul3A_2, %dma_wait3A_87, %dma_wait3A_88] : memref<8x256x8x128xf32, #tpu.memory_space<hbm>> -> memref<1x8x8x128xf32, #tpu.memory_space<hbm>>
      %dma_wait3A_90 = tpu.memref_squeeze %dma_wait3A_89 : memref<1x8x8x128xf32, #tpu.memory_space<hbm>> -> memref<8x8x128xf32, #tpu.memory_space<hbm>>
      %dma_wait3A_91 = arith.constant 0 : i32
      %dma_wait3A_92 = arith.constant 0 : i32
      %dma_wait3A_93 = arith.constant 0 : i32
      %dma_wait3A_94 = tpu.memref_slice %arg5[%run_scoped3A_7, %dma_wait3A_91, %dma_wait3A_92, %dma_wait3A_93] : memref<8x8x8x129xf32, #tpu.memory_space<vmem>> -> memref<1x8x8x128xf32, #tpu.memory_space<vmem>>
      %dma_wait3A_95 = tpu.memref_squeeze %dma_wait3A_94 : memref<1x8x8x128xf32, #tpu.memory_space<vmem>> -> memref<8x8x128xf32, #tpu.memory_space<vmem>>
      %dma_wait3A_96 = arith.constant 0 : i32
      %dma_wait3A_97 = arith.constant 0 : i32
      %dma_wait3A_98 = tpu.memref_slice %arg2[%run_scoped3A_6, %mul3A_2, %dma_wait3A_96, %dma_wait3A_97] : memref<8x256x8x128xf32, #tpu.memory_space<hbm>> -> memref<1x8x8x128xf32, #tpu.memory_space<hbm>>
      %dma_wait3A_99 = tpu.memref_squeeze %dma_wait3A_98 : memref<1x8x8x128xf32, #tpu.memory_space<hbm>> -> memref<8x8x128xf32, #tpu.memory_space<hbm>>
      tpu.wait_dma2 semaphore(%run_scoped3A_65 : memref<!tpu.dma_semaphore, #tpu.memory_space<semaphore_mem>>) src(%dma_wait3A_99 : memref<8x8x128xf32, #tpu.memory_space<hbm>>) dst(%dma_wait3A_95 : memref<8x8x128xf32, #tpu.memory_space<vmem>>)
      tpu.yield
    }) : () -> ()
    %run_scoped3A_8 = arith.constant 3 : i32
    %run_scoped3A_9 = arith.constant 3 : i32
    "tpu.region"() ({
      %run_scoped3A_65 = tpu.sem_alloc : memref<!tpu.dma_semaphore, #tpu.memory_space<semaphore_mem>>
      %dma_start3A = arith.constant 0 : i32
      %dma_start3A_66 = arith.constant 0 : i32
      %dma_start3A_67 = arith.constant 0 : i32
      %dma_start3A_68 = tpu.memref_slice %arg5[%run_scoped3A_9, %dma_start3A, %dma_start3A_66, %dma_start3A_67] : memref<8x8x8x129xf32, #tpu.memory_space<vmem>> -> memref<1x8x8x128xf32, #tpu.memory_space<vmem>>
      %dma_start3A_69 = tpu.memref_squeeze %dma_start3A_68 : memref<1x8x8x128xf32, #tpu.memory_space<vmem>> -> memref<8x8x128xf32, #tpu.memory_space<vmem>>
      %dma_start3A_70 = arith.constant 0 : i32
      %dma_start3A_71 = arith.constant 0 : i32
      %dma_start3A_72 = tpu.memref_slice %arg2[%run_scoped3A_8, %mul3A_2, %dma_start3A_70, %dma_start3A_71] : memref<8x256x8x128xf32, #tpu.memory_space<hbm>> -> memref<1x8x8x128xf32, #tpu.memory_space<hbm>>
      %dma_start3A_73 = tpu.memref_squeeze %dma_start3A_72 : memref<1x8x8x128xf32, #tpu.memory_space<hbm>> -> memref<8x8x128xf32, #tpu.memory_space<hbm>>
      %dma_start3A_74 = arith.constant 0 : i32
      %dma_start3A_75 = arith.constant 0 : i32
      %dma_start3A_76 = arith.constant 0 : i32
      %dma_start3A_77 = tpu.memref_slice %arg5[%run_scoped3A_9, %dma_start3A_74, %dma_start3A_75, %dma_start3A_76] : memref<8x8x8x129xf32, #tpu.memory_space<vmem>> -> memref<1x8x8x128xf32, #tpu.memory_space<vmem>>
      %dma_start3A_78 = tpu.memref_squeeze %dma_start3A_77 : memref<1x8x8x128xf32, #tpu.memory_space<vmem>> -> memref<8x8x128xf32, #tpu.memory_space<vmem>>
      %dma_start3A_79 = arith.constant 0 : i32
      %dma_start3A_80 = arith.constant 0 : i32
      %dma_start3A_81 = tpu.memref_slice %arg2[%run_scoped3A_8, %mul3A_2, %dma_start3A_79, %dma_start3A_80] : memref<8x256x8x128xf32, #tpu.memory_space<hbm>> -> memref<1x8x8x128xf32, #tpu.memory_space<hbm>>
      %dma_start3A_82 = tpu.memref_squeeze %dma_start3A_81 : memref<1x8x8x128xf32, #tpu.memory_space<hbm>> -> memref<8x8x128xf32, #tpu.memory_space<hbm>>
      tpu.enqueue_dma source(%dma_start3A_82 : memref<8x8x128xf32, #tpu.memory_space<hbm>>) target(%dma_start3A_78 : memref<8x8x128xf32, #tpu.memory_space<vmem>>) target_semaphore(%run_scoped3A_65 : memref<!tpu.dma_semaphore, #tpu.memory_space<semaphore_mem>>)
      %dma_wait3A = arith.constant 0 : i32
      %dma_wait3A_83 = arith.constant 0 : i32
      %dma_wait3A_84 = arith.constant 0 : i32
      %dma_wait3A_85 = tpu.memref_slice %arg5[%run_scoped3A_9, %dma_wait3A, %dma_wait3A_83, %dma_wait3A_84] : memref<8x8x8x129xf32, #tpu.memory_space<vmem>> -> memref<1x8x8x128xf32, #tpu.memory_space<vmem>>
      %dma_wait3A_86 = tpu.memref_squeeze %dma_wait3A_85 : memref<1x8x8x128xf32, #tpu.memory_space<vmem>> -> memref<8x8x128xf32, #tpu.memory_space<vmem>>
      %dma_wait3A_87 = arith.constant 0 : i32
      %dma_wait3A_88 = arith.constant 0 : i32
      %dma_wait3A_89 = tpu.memref_slice %arg2[%run_scoped3A_8, %mul3A_2, %dma_wait3A_87, %dma_wait3A_88] : memref<8x256x8x128xf32, #tpu.memory_space<hbm>> -> memref<1x8x8x128xf32, #tpu.memory_space<hbm>>
      %dma_wait3A_90 = tpu.memref_squeeze %dma_wait3A_89 : memref<1x8x8x128xf32, #tpu.memory_space<hbm>> -> memref<8x8x128xf32, #tpu.memory_space<hbm>>
      %dma_wait3A_91 = arith.constant 0 : i32
      %dma_wait3A_92 = arith.constant 0 : i32
      %dma_wait3A_93 = arith.constant 0 : i32
      %dma_wait3A_94 = tpu.memref_slice %arg5[%run_scoped3A_9, %dma_wait3A_91, %dma_wait3A_92, %dma_wait3A_93] : memref<8x8x8x129xf32, #tpu.memory_space<vmem>> -> memref<1x8x8x128xf32, #tpu.memory_space<vmem>>
      %dma_wait3A_95 = tpu.memref_squeeze %dma_wait3A_94 : memref<1x8x8x128xf32, #tpu.memory_space<vmem>> -> memref<8x8x128xf32, #tpu.memory_space<vmem>>
      %dma_wait3A_96 = arith.constant 0 : i32
      %dma_wait3A_97 = arith.constant 0 : i32
      %dma_wait3A_98 = tpu.memref_slice %arg2[%run_scoped3A_8, %mul3A_2, %dma_wait3A_96, %dma_wait3A_97] : memref<8x256x8x128xf32, #tpu.memory_space<hbm>> -> memref<1x8x8x128xf32, #tpu.memory_space<hbm>>
      %dma_wait3A_99 = tpu.memref_squeeze %dma_wait3A_98 : memref<1x8x8x128xf32, #tpu.memory_space<hbm>> -> memref<8x8x128xf32, #tpu.memory_space<hbm>>
      tpu.wait_dma2 semaphore(%run_scoped3A_65 : memref<!tpu.dma_semaphore, #tpu.memory_space<semaphore_mem>>) src(%dma_wait3A_99 : memref<8x8x128xf32, #tpu.memory_space<hbm>>) dst(%dma_wait3A_95 : memref<8x8x128xf32, #tpu.memory_space<vmem>>)
      tpu.yield
    }) : () -> ()
    %run_scoped3A_10 = arith.constant 4 : i32
    %run_scoped3A_11 = arith.constant 4 : i32
    "tpu.region"() ({
      %run_scoped3A_65 = tpu.sem_alloc : memref<!tpu.dma_semaphore, #tpu.memory_space<semaphore_mem>>
      %dma_start3A = arith.constant 0 : i32
      %dma_start3A_66 = arith.constant 0 : i32
      %dma_start3A_67 = arith.constant 0 : i32
      %dma_start3A_68 = tpu.memref_slice %arg5[%run_scoped3A_11, %dma_start3A, %dma_start3A_66, %dma_start3A_67] : memref<8x8x8x129xf32, #tpu.memory_space<vmem>> -> memref<1x8x8x128xf32, #tpu.memory_space<vmem>>
      %dma_start3A_69 = tpu.memref_squeeze %dma_start3A_68 : memref<1x8x8x128xf32, #tpu.memory_space<vmem>> -> memref<8x8x128xf32, #tpu.memory_space<vmem>>
      %dma_start3A_70 = arith.constant 0 : i32
      %dma_start3A_71 = arith.constant 0 : i32
      %dma_start3A_72 = tpu.memref_slice %arg2[%run_scoped3A_10, %mul3A_2, %dma_start3A_70, %dma_start3A_71] : memref<8x256x8x128xf32, #tpu.memory_space<hbm>> -> memref<1x8x8x128xf32, #tpu.memory_space<hbm>>
      %dma_start3A_73 = tpu.memref_squeeze %dma_start3A_72 : memref<1x8x8x128xf32, #tpu.memory_space<hbm>> -> memref<8x8x128xf32, #tpu.memory_space<hbm>>
      %dma_start3A_74 = arith.constant 0 : i32
      %dma_start3A_75 = arith.constant 0 : i32
      %dma_start3A_76 = arith.constant 0 : i32
      %dma_start3A_77 = tpu.memref_slice %arg5[%run_scoped3A_11, %dma_start3A_74, %dma_start3A_75, %dma_start3A_76] : memref<8x8x8x129xf32, #tpu.memory_space<vmem>> -> memref<1x8x8x128xf32, #tpu.memory_space<vmem>>
      %dma_start3A_78 = tpu.memref_squeeze %dma_start3A_77 : memref<1x8x8x128xf32, #tpu.memory_space<vmem>> -> memref<8x8x128xf32, #tpu.memory_space<vmem>>
      %dma_start3A_79 = arith.constant 0 : i32
      %dma_start3A_80 = arith.constant 0 : i32
      %dma_start3A_81 = tpu.memref_slice %arg2[%run_scoped3A_10, %mul3A_2, %dma_start3A_79, %dma_start3A_80] : memref<8x256x8x128xf32, #tpu.memory_space<hbm>> -> memref<1x8x8x128xf32, #tpu.memory_space<hbm>>
      %dma_start3A_82 = tpu.memref_squeeze %dma_start3A_81 : memref<1x8x8x128xf32, #tpu.memory_space<hbm>> -> memref<8x8x128xf32, #tpu.memory_space<hbm>>
      tpu.enqueue_dma source(%dma_start3A_82 : memref<8x8x128xf32, #tpu.memory_space<hbm>>) target(%dma_start3A_78 : memref<8x8x128xf32, #tpu.memory_space<vmem>>) target_semaphore(%run_scoped3A_65 : memref<!tpu.dma_semaphore, #tpu.memory_space<semaphore_mem>>)
      %dma_wait3A = arith.constant 0 : i32
      %dma_wait3A_83 = arith.constant 0 : i32
      %dma_wait3A_84 = arith.constant 0 : i32
      %dma_wait3A_85 = tpu.memref_slice %arg5[%run_scoped3A_11, %dma_wait3A, %dma_wait3A_83, %dma_wait3A_84] : memref<8x8x8x129xf32, #tpu.memory_space<vmem>> -> memref<1x8x8x128xf32, #tpu.memory_space<vmem>>
      %dma_wait3A_86 = tpu.memref_squeeze %dma_wait3A_85 : memref<1x8x8x128xf32, #tpu.memory_space<vmem>> -> memref<8x8x128xf32, #tpu.memory_space<vmem>>
      %dma_wait3A_87 = arith.constant 0 : i32
      %dma_wait3A_88 = arith.constant 0 : i32
      %dma_wait3A_89 = tpu.memref_slice %arg2[%run_scoped3A_10, %mul3A_2, %dma_wait3A_87, %dma_wait3A_88] : memref<8x256x8x128xf32, #tpu.memory_space<hbm>> -> memref<1x8x8x128xf32, #tpu.memory_space<hbm>>
      %dma_wait3A_90 = tpu.memref_squeeze %dma_wait3A_89 : memref<1x8x8x128xf32, #tpu.memory_space<hbm>> -> memref<8x8x128xf32, #tpu.memory_space<hbm>>
      %dma_wait3A_91 = arith.constant 0 : i32
      %dma_wait3A_92 = arith.constant 0 : i32
      %dma_wait3A_93 = arith.constant 0 : i32
      %dma_wait3A_94 = tpu.memref_slice %arg5[%run_scoped3A_11, %dma_wait3A_91, %dma_wait3A_92, %dma_wait3A_93] : memref<8x8x8x129xf32, #tpu.memory_space<vmem>> -> memref<1x8x8x128xf32, #tpu.memory_space<vmem>>
      %dma_wait3A_95 = tpu.memref_squeeze %dma_wait3A_94 : memref<1x8x8x128xf32, #tpu.memory_space<vmem>> -> memref<8x8x128xf32, #tpu.memory_space<vmem>>
      %dma_wait3A_96 = arith.constant 0 : i32
      %dma_wait3A_97 = arith.constant 0 : i32
      %dma_wait3A_98 = tpu.memref_slice %arg2[%run_scoped3A_10, %mul3A_2, %dma_wait3A_96, %dma_wait3A_97] : memref<8x256x8x128xf32, #tpu.memory_space<hbm>> -> memref<1x8x8x128xf32, #tpu.memory_space<hbm>>
      %dma_wait3A_99 = tpu.memref_squeeze %dma_wait3A_98 : memref<1x8x8x128xf32, #tpu.memory_space<hbm>> -> memref<8x8x128xf32, #tpu.memory_space<hbm>>
      tpu.wait_dma2 semaphore(%run_scoped3A_65 : memref<!tpu.dma_semaphore, #tpu.memory_space<semaphore_mem>>) src(%dma_wait3A_99 : memref<8x8x128xf32, #tpu.memory_space<hbm>>) dst(%dma_wait3A_95 : memref<8x8x128xf32, #tpu.memory_space<vmem>>)
      tpu.yield
    }) : () -> ()
    %run_scoped3A_12 = arith.constant 5 : i32
    %run_scoped3A_13 = arith.constant 5 : i32
    "tpu.region"() ({
      %run_scoped3A_65 = tpu.sem_alloc : memref<!tpu.dma_semaphore, #tpu.memory_space<semaphore_mem>>
      %dma_start3A = arith.constant 0 : i32
      %dma_start3A_66 = arith.constant 0 : i32
      %dma_start3A_67 = arith.constant 0 : i32
      %dma_start3A_68 = tpu.memref_slice %arg5[%run_scoped3A_13, %dma_start3A, %dma_start3A_66, %dma_start3A_67] : memref<8x8x8x129xf32, #tpu.memory_space<vmem>> -> memref<1x8x8x128xf32, #tpu.memory_space<vmem>>
      %dma_start3A_69 = tpu.memref_squeeze %dma_start3A_68 : memref<1x8x8x128xf32, #tpu.memory_space<vmem>> -> memref<8x8x128xf32, #tpu.memory_space<vmem>>
      %dma_start3A_70 = arith.constant 0 : i32
      %dma_start3A_71 = arith.constant 0 : i32
      %dma_start3A_72 = tpu.memref_slice %arg2[%run_scoped3A_12, %mul3A_2, %dma_start3A_70, %dma_start3A_71] : memref<8x256x8x128xf32, #tpu.memory_space<hbm>> -> memref<1x8x8x128xf32, #tpu.memory_space<hbm>>
      %dma_start3A_73 = tpu.memref_squeeze %dma_start3A_72 : memref<1x8x8x128xf32, #tpu.memory_space<hbm>> -> memref<8x8x128xf32, #tpu.memory_space<hbm>>
      %dma_start3A_74 = arith.constant 0 : i32
      %dma_start3A_75 = arith.constant 0 : i32
      %dma_start3A_76 = arith.constant 0 : i32
      %dma_start3A_77 = tpu.memref_slice %arg5[%run_scoped3A_13, %dma_start3A_74, %dma_start3A_75, %dma_start3A_76] : memref<8x8x8x129xf32, #tpu.memory_space<vmem>> -> memref<1x8x8x128xf32, #tpu.memory_space<vmem>>
      %dma_start3A_78 = tpu.memref_squeeze %dma_start3A_77 : memref<1x8x8x128xf32, #tpu.memory_space<vmem>> -> memref<8x8x128xf32, #tpu.memory_space<vmem>>
      %dma_start3A_79 = arith.constant 0 : i32
      %dma_start3A_80 = arith.constant 0 : i32
      %dma_start3A_81 = tpu.memref_slice %arg2[%run_scoped3A_12, %mul3A_2, %dma_start3A_79, %dma_start3A_80] : memref<8x256x8x128xf32, #tpu.memory_space<hbm>> -> memref<1x8x8x128xf32, #tpu.memory_space<hbm>>
      %dma_start3A_82 = tpu.memref_squeeze %dma_start3A_81 : memref<1x8x8x128xf32, #tpu.memory_space<hbm>> -> memref<8x8x128xf32, #tpu.memory_space<hbm>>
      tpu.enqueue_dma source(%dma_start3A_82 : memref<8x8x128xf32, #tpu.memory_space<hbm>>) target(%dma_start3A_78 : memref<8x8x128xf32, #tpu.memory_space<vmem>>) target_semaphore(%run_scoped3A_65 : memref<!tpu.dma_semaphore, #tpu.memory_space<semaphore_mem>>)
      %dma_wait3A = arith.constant 0 : i32
      %dma_wait3A_83 = arith.constant 0 : i32
      %dma_wait3A_84 = arith.constant 0 : i32
      %dma_wait3A_85 = tpu.memref_slice %arg5[%run_scoped3A_13, %dma_wait3A, %dma_wait3A_83, %dma_wait3A_84] : memref<8x8x8x129xf32, #tpu.memory_space<vmem>> -> memref<1x8x8x128xf32, #tpu.memory_space<vmem>>
      %dma_wait3A_86 = tpu.memref_squeeze %dma_wait3A_85 : memref<1x8x8x128xf32, #tpu.memory_space<vmem>> -> memref<8x8x128xf32, #tpu.memory_space<vmem>>
      %dma_wait3A_87 = arith.constant 0 : i32
      %dma_wait3A_88 = arith.constant 0 : i32
      %dma_wait3A_89 = tpu.memref_slice %arg2[%run_scoped3A_12, %mul3A_2, %dma_wait3A_87, %dma_wait3A_88] : memref<8x256x8x128xf32, #tpu.memory_space<hbm>> -> memref<1x8x8x128xf32, #tpu.memory_space<hbm>>
      %dma_wait3A_90 = tpu.memref_squeeze %dma_wait3A_89 : memref<1x8x8x128xf32, #tpu.memory_space<hbm>> -> memref<8x8x128xf32, #tpu.memory_space<hbm>>
      %dma_wait3A_91 = arith.constant 0 : i32
      %dma_wait3A_92 = arith.constant 0 : i32
      %dma_wait3A_93 = arith.constant 0 : i32
      %dma_wait3A_94 = tpu.memref_slice %arg5[%run_scoped3A_13, %dma_wait3A_91, %dma_wait3A_92, %dma_wait3A_93] : memref<8x8x8x129xf32, #tpu.memory_space<vmem>> -> memref<1x8x8x128xf32, #tpu.memory_space<vmem>>
      %dma_wait3A_95 = tpu.memref_squeeze %dma_wait3A_94 : memref<1x8x8x128xf32, #tpu.memory_space<vmem>> -> memref<8x8x128xf32, #tpu.memory_space<vmem>>
      %dma_wait3A_96 = arith.constant 0 : i32
      %dma_wait3A_97 = arith.constant 0 : i32
      %dma_wait3A_98 = tpu.memref_slice %arg2[%run_scoped3A_12, %mul3A_2, %dma_wait3A_96, %dma_wait3A_97] : memref<8x256x8x128xf32, #tpu.memory_space<hbm>> -> memref<1x8x8x128xf32, #tpu.memory_space<hbm>>
      %dma_wait3A_99 = tpu.memref_squeeze %dma_wait3A_98 : memref<1x8x8x128xf32, #tpu.memory_space<hbm>> -> memref<8x8x128xf32, #tpu.memory_space<hbm>>
      tpu.wait_dma2 semaphore(%run_scoped3A_65 : memref<!tpu.dma_semaphore, #tpu.memory_space<semaphore_mem>>) src(%dma_wait3A_99 : memref<8x8x128xf32, #tpu.memory_space<hbm>>) dst(%dma_wait3A_95 : memref<8x8x128xf32, #tpu.memory_space<vmem>>)
      tpu.yield
    }) : () -> ()
    %run_scoped3A_14 = arith.constant 6 : i32
    %run_scoped3A_15 = arith.constant 6 : i32
    "tpu.region"() ({
      %run_scoped3A_65 = tpu.sem_alloc : memref<!tpu.dma_semaphore, #tpu.memory_space<semaphore_mem>>
      %dma_start3A = arith.constant 0 : i32
      %dma_start3A_66 = arith.constant 0 : i32
      %dma_start3A_67 = arith.constant 0 : i32
      %dma_start3A_68 = tpu.memref_slice %arg5[%run_scoped3A_15, %dma_start3A, %dma_start3A_66, %dma_start3A_67] : memref<8x8x8x129xf32, #tpu.memory_space<vmem>> -> memref<1x8x8x128xf32, #tpu.memory_space<vmem>>
      %dma_start3A_69 = tpu.memref_squeeze %dma_start3A_68 : memref<1x8x8x128xf32, #tpu.memory_space<vmem>> -> memref<8x8x128xf32, #tpu.memory_space<vmem>>
      %dma_start3A_70 = arith.constant 0 : i32
      %dma_start3A_71 = arith.constant 0 : i32
      %dma_start3A_72 = tpu.memref_slice %arg2[%run_scoped3A_14, %mul3A_2, %dma_start3A_70, %dma_start3A_71] : memref<8x256x8x128xf32, #tpu.memory_space<hbm>> -> memref<1x8x8x128xf32, #tpu.memory_space<hbm>>
      %dma_start3A_73 = tpu.memref_squeeze %dma_start3A_72 : memref<1x8x8x128xf32, #tpu.memory_space<hbm>> -> memref<8x8x128xf32, #tpu.memory_space<hbm>>
      %dma_start3A_74 = arith.constant 0 : i32
      %dma_start3A_75 = arith.constant 0 : i32
      %dma_start3A_76 = arith.constant 0 : i32
      %dma_start3A_77 = tpu.memref_slice %arg5[%run_scoped3A_15, %dma_start3A_74, %dma_start3A_75, %dma_start3A_76] : memref<8x8x8x129xf32, #tpu.memory_space<vmem>> -> memref<1x8x8x128xf32, #tpu.memory_space<vmem>>
      %dma_start3A_78 = tpu.memref_squeeze %dma_start3A_77 : memref<1x8x8x128xf32, #tpu.memory_space<vmem>> -> memref<8x8x128xf32, #tpu.memory_space<vmem>>
      %dma_start3A_79 = arith.constant 0 : i32
      %dma_start3A_80 = arith.constant 0 : i32
      %dma_start3A_81 = tpu.memref_slice %arg2[%run_scoped3A_14, %mul3A_2, %dma_start3A_79, %dma_start3A_80] : memref<8x256x8x128xf32, #tpu.memory_space<hbm>> -> memref<1x8x8x128xf32, #tpu.memory_space<hbm>>
      %dma_start3A_82 = tpu.memref_squeeze %dma_start3A_81 : memref<1x8x8x128xf32, #tpu.memory_space<hbm>> -> memref<8x8x128xf32, #tpu.memory_space<hbm>>
      tpu.enqueue_dma source(%dma_start3A_82 : memref<8x8x128xf32, #tpu.memory_space<hbm>>) target(%dma_start3A_78 : memref<8x8x128xf32, #tpu.memory_space<vmem>>) target_semaphore(%run_scoped3A_65 : memref<!tpu.dma_semaphore, #tpu.memory_space<semaphore_mem>>)
      %dma_wait3A = arith.constant 0 : i32
      %dma_wait3A_83 = arith.constant 0 : i32
      %dma_wait3A_84 = arith.constant 0 : i32
      %dma_wait3A_85 = tpu.memref_slice %arg5[%run_scoped3A_15, %dma_wait3A, %dma_wait3A_83, %dma_wait3A_84] : memref<8x8x8x129xf32, #tpu.memory_space<vmem>> -> memref<1x8x8x128xf32, #tpu.memory_space<vmem>>
      %dma_wait3A_86 = tpu.memref_squeeze %dma_wait3A_85 : memref<1x8x8x128xf32, #tpu.memory_space<vmem>> -> memref<8x8x128xf32, #tpu.memory_space<vmem>>
      %dma_wait3A_87 = arith.constant 0 : i32
      %dma_wait3A_88 = arith.constant 0 : i32
      %dma_wait3A_89 = tpu.memref_slice %arg2[%run_scoped3A_14, %mul3A_2, %dma_wait3A_87, %dma_wait3A_88] : memref<8x256x8x128xf32, #tpu.memory_space<hbm>> -> memref<1x8x8x128xf32, #tpu.memory_space<hbm>>
      %dma_wait3A_90 = tpu.memref_squeeze %dma_wait3A_89 : memref<1x8x8x128xf32, #tpu.memory_space<hbm>> -> memref<8x8x128xf32, #tpu.memory_space<hbm>>
      %dma_wait3A_91 = arith.constant 0 : i32
      %dma_wait3A_92 = arith.constant 0 : i32
      %dma_wait3A_93 = arith.constant 0 : i32
      %dma_wait3A_94 = tpu.memref_slice %arg5[%run_scoped3A_15, %dma_wait3A_91, %dma_wait3A_92, %dma_wait3A_93] : memref<8x8x8x129xf32, #tpu.memory_space<vmem>> -> memref<1x8x8x128xf32, #tpu.memory_space<vmem>>
      %dma_wait3A_95 = tpu.memref_squeeze %dma_wait3A_94 : memref<1x8x8x128xf32, #tpu.memory_space<vmem>> -> memref<8x8x128xf32, #tpu.memory_space<vmem>>
      %dma_wait3A_96 = arith.constant 0 : i32
      %dma_wait3A_97 = arith.constant 0 : i32
      %dma_wait3A_98 = tpu.memref_slice %arg2[%run_scoped3A_14, %mul3A_2, %dma_wait3A_96, %dma_wait3A_97] : memref<8x256x8x128xf32, #tpu.memory_space<hbm>> -> memref<1x8x8x128xf32, #tpu.memory_space<hbm>>
      %dma_wait3A_99 = tpu.memref_squeeze %dma_wait3A_98 : memref<1x8x8x128xf32, #tpu.memory_space<hbm>> -> memref<8x8x128xf32, #tpu.memory_space<hbm>>
      tpu.wait_dma2 semaphore(%run_scoped3A_65 : memref<!tpu.dma_semaphore, #tpu.memory_space<semaphore_mem>>) src(%dma_wait3A_99 : memref<8x8x128xf32, #tpu.memory_space<hbm>>) dst(%dma_wait3A_95 : memref<8x8x128xf32, #tpu.memory_space<vmem>>)
      tpu.yield
    }) : () -> ()
    %run_scoped3A_16 = arith.constant 7 : i32
    %run_scoped3A_17 = arith.constant 7 : i32
    "tpu.region"() ({
      %run_scoped3A_65 = tpu.sem_alloc : memref<!tpu.dma_semaphore, #tpu.memory_space<semaphore_mem>>
      %dma_start3A = arith.constant 0 : i32
      %dma_start3A_66 = arith.constant 0 : i32
      %dma_start3A_67 = arith.constant 0 : i32
      %dma_start3A_68 = tpu.memref_slice %arg5[%run_scoped3A_17, %dma_start3A, %dma_start3A_66, %dma_start3A_67] : memref<8x8x8x129xf32, #tpu.memory_space<vmem>> -> memref<1x8x8x128xf32, #tpu.memory_space<vmem>>
      %dma_start3A_69 = tpu.memref_squeeze %dma_start3A_68 : memref<1x8x8x128xf32, #tpu.memory_space<vmem>> -> memref<8x8x128xf32, #tpu.memory_space<vmem>>
      %dma_start3A_70 = arith.constant 0 : i32
      %dma_start3A_71 = arith.constant 0 : i32
      %dma_start3A_72 = tpu.memref_slice %arg2[%run_scoped3A_16, %mul3A_2, %dma_start3A_70, %dma_start3A_71] : memref<8x256x8x128xf32, #tpu.memory_space<hbm>> -> memref<1x8x8x128xf32, #tpu.memory_space<hbm>>
      %dma_start3A_73 = tpu.memref_squeeze %dma_start3A_72 : memref<1x8x8x128xf32, #tpu.memory_space<hbm>> -> memref<8x8x128xf32, #tpu.memory_space<hbm>>
      %dma_start3A_74 = arith.constant 0 : i32
      %dma_start3A_75 = arith.constant 0 : i32
      %dma_start3A_76 = arith.constant 0 : i32
      %dma_start3A_77 = tpu.memref_slice %arg5[%run_scoped3A_17, %dma_start3A_74, %dma_start3A_75, %dma_start3A_76] : memref<8x8x8x129xf32, #tpu.memory_space<vmem>> -> memref<1x8x8x128xf32, #tpu.memory_space<vmem>>
      %dma_start3A_78 = tpu.memref_squeeze %dma_start3A_77 : memref<1x8x8x128xf32, #tpu.memory_space<vmem>> -> memref<8x8x128xf32, #tpu.memory_space<vmem>>
      %dma_start3A_79 = arith.constant 0 : i32
      %dma_start3A_80 = arith.constant 0 : i32
      %dma_start3A_81 = tpu.memref_slice %arg2[%run_scoped3A_16, %mul3A_2, %dma_start3A_79, %dma_start3A_80] : memref<8x256x8x128xf32, #tpu.memory_space<hbm>> -> memref<1x8x8x128xf32, #tpu.memory_space<hbm>>
      %dma_start3A_82 = tpu.memref_squeeze %dma_start3A_81 : memref<1x8x8x128xf32, #tpu.memory_space<hbm>> -> memref<8x8x128xf32, #tpu.memory_space<hbm>>
      tpu.enqueue_dma source(%dma_start3A_82 : memref<8x8x128xf32, #tpu.memory_space<hbm>>) target(%dma_start3A_78 : memref<8x8x128xf32, #tpu.memory_space<vmem>>) target_semaphore(%run_scoped3A_65 : memref<!tpu.dma_semaphore, #tpu.memory_space<semaphore_mem>>)
      %dma_wait3A = arith.constant 0 : i32
      %dma_wait3A_83 = arith.constant 0 : i32
      %dma_wait3A_84 = arith.constant 0 : i32
      %dma_wait3A_85 = tpu.memref_slice %arg5[%run_scoped3A_17, %dma_wait3A, %dma_wait3A_83, %dma_wait3A_84] : memref<8x8x8x129xf32, #tpu.memory_space<vmem>> -> memref<1x8x8x128xf32, #tpu.memory_space<vmem>>
      %dma_wait3A_86 = tpu.memref_squeeze %dma_wait3A_85 : memref<1x8x8x128xf32, #tpu.memory_space<vmem>> -> memref<8x8x128xf32, #tpu.memory_space<vmem>>
      %dma_wait3A_87 = arith.constant 0 : i32
      %dma_wait3A_88 = arith.constant 0 : i32
      %dma_wait3A_89 = tpu.memref_slice %arg2[%run_scoped3A_16, %mul3A_2, %dma_wait3A_87, %dma_wait3A_88] : memref<8x256x8x128xf32, #tpu.memory_space<hbm>> -> memref<1x8x8x128xf32, #tpu.memory_space<hbm>>
      %dma_wait3A_90 = tpu.memref_squeeze %dma_wait3A_89 : memref<1x8x8x128xf32, #tpu.memory_space<hbm>> -> memref<8x8x128xf32, #tpu.memory_space<hbm>>
      %dma_wait3A_91 = arith.constant 0 : i32
      %dma_wait3A_92 = arith.constant 0 : i32
      %dma_wait3A_93 = arith.constant 0 : i32
      %dma_wait3A_94 = tpu.memref_slice %arg5[%run_scoped3A_17, %dma_wait3A_91, %dma_wait3A_92, %dma_wait3A_93] : memref<8x8x8x129xf32, #tpu.memory_space<vmem>> -> memref<1x8x8x128xf32, #tpu.memory_space<vmem>>
      %dma_wait3A_95 = tpu.memref_squeeze %dma_wait3A_94 : memref<1x8x8x128xf32, #tpu.memory_space<vmem>> -> memref<8x8x128xf32, #tpu.memory_space<vmem>>
      %dma_wait3A_96 = arith.constant 0 : i32
      %dma_wait3A_97 = arith.constant 0 : i32
      %dma_wait3A_98 = tpu.memref_slice %arg2[%run_scoped3A_16, %mul3A_2, %dma_wait3A_96, %dma_wait3A_97] : memref<8x256x8x128xf32, #tpu.memory_space<hbm>> -> memref<1x8x8x128xf32, #tpu.memory_space<hbm>>
      %dma_wait3A_99 = tpu.memref_squeeze %dma_wait3A_98 : memref<1x8x8x128xf32, #tpu.memory_space<hbm>> -> memref<8x8x128xf32, #tpu.memory_space<hbm>>
      tpu.wait_dma2 semaphore(%run_scoped3A_65 : memref<!tpu.dma_semaphore, #tpu.memory_space<semaphore_mem>>) src(%dma_wait3A_99 : memref<8x8x128xf32, #tpu.memory_space<hbm>>) dst(%dma_wait3A_95 : memref<8x8x128xf32, #tpu.memory_space<vmem>>)
      tpu.yield
    }) : () -> ()
    %iota3A = tpu.iota {dimensions = array<i32: 0>} : vector<16xi32>
    %lt3A = arith.constant 8 : i32
    %lt3A_18 = vector.broadcast %lt3A : i32 to vector<16xi32>
    %lt3A_19 = arith.cmpi slt, %iota3A, %lt3A_18 : vector<16xi32>
    %add3A_20 = arith.constant 8 : i32
    %add3A_21 = vector.broadcast %add3A_20 : i32 to vector<16xi32>
    %add3A_22 = arith.addi %iota3A, %add3A_21 : vector<16xi32>
    %and3A = arith.constant 15 : i32
    %and3A_23 = vector.broadcast %and3A : i32 to vector<16xi32>
    %and3A_24 = arith.andi %add3A_22, %and3A_23 : vector<16xi32>
    %and3A_25 = arith.constant 7 : i32
    %and3A_26 = vector.broadcast %and3A_25 : i32 to vector<16xi32>
    %and3A_27 = arith.andi %iota3A, %and3A_26 : vector<16xi32>
    %shift_right_arithmetic3A = arith.constant 3 : i32
    %shift_right_arithmetic3A_28 = vector.broadcast %shift_right_arithmetic3A : i32 to vector<16xi32>
    %shift_right_arithmetic3A_29 = arith.shrsi %iota3A, %shift_right_arithmetic3A_28 : vector<16xi32>
    %add3A_30 = arith.constant 0 : i32
    %add3A_31 = vector.broadcast %add3A_30 : i32 to vector<16xi32>
    %add3A_32 = arith.addi %shift_right_arithmetic3A_29, %add3A_31 : vector<16xi32>
    %shift_right_arithmetic3A_33 = arith.constant 3 : i32
    %shift_right_arithmetic3A_34 = vector.broadcast %shift_right_arithmetic3A_33 : i32 to vector<16xi32>
    %shift_right_arithmetic3A_35 = arith.shrsi %iota3A, %shift_right_arithmetic3A_34 : vector<16xi32>
    %add3A_36 = arith.constant 2 : i32
    %add3A_37 = vector.broadcast %add3A_36 : i32 to vector<16xi32>
    %add3A_38 = arith.addi %shift_right_arithmetic3A_35, %add3A_37 : vector<16xi32>
    %shift_right_arithmetic3A_39 = arith.constant 3 : i32
    %shift_right_arithmetic3A_40 = vector.broadcast %shift_right_arithmetic3A_39 : i32 to vector<16xi32>
    %shift_right_arithmetic3A_41 = arith.shrsi %iota3A, %shift_right_arithmetic3A_40 : vector<16xi32>
    %add3A_42 = arith.constant 4 : i32
    %add3A_43 = vector.broadcast %add3A_42 : i32 to vector<16xi32>
    %add3A_44 = arith.addi %shift_right_arithmetic3A_41, %add3A_43 : vector<16xi32>
    %shift_right_arithmetic3A_45 = arith.constant 3 : i32
    %shift_right_arithmetic3A_46 = vector.broadcast %shift_right_arithmetic3A_45 : i32 to vector<16xi32>
    %shift_right_arithmetic3A_47 = arith.shrsi %iota3A, %shift_right_arithmetic3A_46 : vector<16xi32>
    %add3A_48 = arith.constant 6 : i32
    %add3A_49 = vector.broadcast %add3A_48 : i32 to vector<16xi32>
    %add3A_50 = arith.addi %shift_right_arithmetic3A_47, %add3A_49 : vector<16xi32>
    %add3A_51 = arith.constant 0 : i32
    %add3A_52 = vector.broadcast %add3A_51 : i32 to vector<16xi32>
    %add3A_53 = arith.addi %iota3A, %add3A_52 : vector<16xi32>
    %add3A_54 = arith.constant 16 : i32
    %add3A_55 = vector.broadcast %add3A_54 : i32 to vector<16xi32>
    %add3A_56 = arith.addi %iota3A, %add3A_55 : vector<16xi32>
    %add3A_57 = arith.constant 32 : i32
    %add3A_58 = vector.broadcast %add3A_57 : i32 to vector<16xi32>
    %add3A_59 = arith.addi %iota3A, %add3A_58 : vector<16xi32>
    %add3A_60 = arith.constant 48 : i32
    %add3A_61 = vector.broadcast %add3A_60 : i32 to vector<16xi32>
    %add3A_62 = arith.addi %iota3A, %add3A_61 : vector<16xi32>
    %parallel_loop3A = arith.constant 0 : i32
    %parallel_loop3A_63 = arith.constant 1024 : i32
    %parallel_loop3A_64 = arith.constant 1 : i32
    scf.for %parallel_loop3A_65 = %parallel_loop3A to %parallel_loop3A_63 step %parallel_loop3A_64  : i32 {
      %parallel_loop3A_66 = arith.constant 7 : i32
      %parallel_loop3A_67 = arith.shrsi %parallel_loop3A_65, %parallel_loop3A_66 : i32
      %parallel_loop3A_68 = vector.broadcast %parallel_loop3A_67 : i32 to vector<16xi32>
      %parallel_loop3A_69 = arith.constant 127 : i32
      %parallel_loop3A_70 = arith.andi %parallel_loop3A_65, %parallel_loop3A_69 : i32
      %parallel_loop3A_71 = vector.broadcast %parallel_loop3A_70 : i32 to vector<16xi32>
      %parallel_loop3A_72 = tpu.vector_load_idx %arg5[%add3A_32, %parallel_loop3A_68, %and3A_27, %parallel_loop3A_71] : memref<8x8x8x129xf32, #tpu.memory_space<vmem>>[vector<16xi32>, vector<16xi32>, vector<16xi32>, vector<16xi32>], vector<16xf32>,
      %parallel_loop3A_73 = math.exp %parallel_loop3A_72 : vector<16xf32>
      %parallel_loop3A_74 = tpu.vector_load_idx %arg5[%add3A_38, %parallel_loop3A_68, %and3A_27, %parallel_loop3A_71] : memref<8x8x8x129xf32, #tpu.memory_space<vmem>>[vector<16xi32>, vector<16xi32>, vector<16xi32>, vector<16xi32>], vector<16xf32>,
      %parallel_loop3A_75 = math.exp %parallel_loop3A_74 : vector<16xf32>
      %parallel_loop3A_76 = tpu.vector_load_idx %arg5[%add3A_44, %parallel_loop3A_68, %and3A_27, %parallel_loop3A_71] : memref<8x8x8x129xf32, #tpu.memory_space<vmem>>[vector<16xi32>, vector<16xi32>, vector<16xi32>, vector<16xi32>], vector<16xf32>,
      %parallel_loop3A_77 = math.exp %parallel_loop3A_76 : vector<16xf32>
      %parallel_loop3A_78 = tpu.vector_load_idx %arg5[%add3A_50, %parallel_loop3A_68, %and3A_27, %parallel_loop3A_71] : memref<8x8x8x129xf32, #tpu.memory_space<vmem>>[vector<16xi32>, vector<16xi32>, vector<16xi32>, vector<16xi32>], vector<16xf32>,
      %parallel_loop3A_79 = math.exp %parallel_loop3A_78 : vector<16xf32>
      %parallel_loop3A_80 = arith.addf %parallel_loop3A_73, %parallel_loop3A_75 : vector<16xf32>
      %parallel_loop3A_81 = arith.addf %parallel_loop3A_80, %parallel_loop3A_77 : vector<16xf32>
      %parallel_loop3A_82 = arith.addf %parallel_loop3A_81, %parallel_loop3A_79 : vector<16xf32>
      %parallel_loop3A_83 = arith.constant true
      %parallel_loop3A_84 = vector.broadcast %parallel_loop3A_83 : i1 to vector<16xi1>
      %parallel_loop3A_85 = tpu.scan <sum>, %parallel_loop3A_82 masked %parallel_loop3A_84 : vector<16xf32>, vector<16xi1> -> vector<16xf32>
      %parallel_loop3A_86 = vector.extract %parallel_loop3A_85[15] : f32 from vector<16xf32>
      %parallel_loop3A_87 = arith.constant dense<true> : vector<16xi1>
      %parallel_loop3A_88, %parallel_loop3A_89, %parallel_loop3A_90 = tpu.sort %parallel_loop3A_73, %add3A_53 masked %parallel_loop3A_87 {descending = true} : (vector<16xf32>, vector<16xi32>, vector<16xi1>) -> (vector<16xi1>, vector<16xf32>, vector<16xi32>)
      %parallel_loop3A_91 = arith.constant dense<true> : vector<16xi1>
      %parallel_loop3A_92, %parallel_loop3A_93, %parallel_loop3A_94 = tpu.sort %parallel_loop3A_75, %add3A_56 masked %parallel_loop3A_91 {descending = true} : (vector<16xf32>, vector<16xi32>, vector<16xi1>) -> (vector<16xi1>, vector<16xf32>, vector<16xi32>)
      %parallel_loop3A_95 = arith.constant dense<true> : vector<16xi1>
      %parallel_loop3A_96, %parallel_loop3A_97, %parallel_loop3A_98 = tpu.sort %parallel_loop3A_77, %add3A_59 masked %parallel_loop3A_95 {descending = true} : (vector<16xf32>, vector<16xi32>, vector<16xi1>) -> (vector<16xi1>, vector<16xf32>, vector<16xi32>)
      %parallel_loop3A_99 = arith.constant dense<true> : vector<16xi1>
      %parallel_loop3A_100, %parallel_loop3A_101, %parallel_loop3A_102 = tpu.sort %parallel_loop3A_79, %add3A_62 masked %parallel_loop3A_99 {descending = true} : (vector<16xf32>, vector<16xi32>, vector<16xi1>) -> (vector<16xi1>, vector<16xf32>, vector<16xi32>)
      %parallel_loop3A_103 = arith.constant 0 : i32
      %parallel_loop3A_104 = vector.broadcast %parallel_loop3A_103 : i32 to vector<16xi32>
      %parallel_loop3A_105 = arith.cmpi slt, %and3A_24, %parallel_loop3A_104 : vector<16xi32>
      %parallel_loop3A_106 = arith.constant 16 : i32
      %parallel_loop3A_107 = vector.broadcast %parallel_loop3A_106 : i32 to vector<16xi32>
      %parallel_loop3A_108 = arith.addi %and3A_24, %parallel_loop3A_107 : vector<16xi32>
      %parallel_loop3A_109 = arith.select %parallel_loop3A_105, %parallel_loop3A_108, %and3A_24 : vector<16xi1>, vector<16xi32>
      %parallel_loop3A_110 = vector.shape_cast %parallel_loop3A_109 : vector<16xi32> to vector<16x1xi32>
      %parallel_loop3A_111 = vector.shape_cast %parallel_loop3A_110 : vector<16x1xi32> to vector<16xi32>
      %parallel_loop3A_112 = tpu.dynamic_gather %parallel_loop3A_93[%parallel_loop3A_111] in [0] : vector<16xf32>, vector<16xi32> -> vector<16xf32>
      %parallel_loop3A_113 = arith.constant 0 : i32
      %parallel_loop3A_114 = vector.broadcast %parallel_loop3A_113 : i32 to vector<16xi32>
      %parallel_loop3A_115 = arith.cmpi slt, %and3A_24, %parallel_loop3A_114 : vector<16xi32>
      %parallel_loop3A_116 = arith.constant 16 : i32
      %parallel_loop3A_117 = vector.broadcast %parallel_loop3A_116 : i32 to vector<16xi32>
      %parallel_loop3A_118 = arith.addi %and3A_24, %parallel_loop3A_117 : vector<16xi32>
      %parallel_loop3A_119 = arith.select %parallel_loop3A_115, %parallel_loop3A_118, %and3A_24 : vector<16xi1>, vector<16xi32>
      %parallel_loop3A_120 = vector.shape_cast %parallel_loop3A_119 : vector<16xi32> to vector<16x1xi32>
      %parallel_loop3A_121 = vector.shape_cast %parallel_loop3A_120 : vector<16x1xi32> to vector<16xi32>
      %parallel_loop3A_122 = tpu.dynamic_gather %parallel_loop3A_94[%parallel_loop3A_121] in [0] : vector<16xi32>, vector<16xi32> -> vector<16xi32>
      %parallel_loop3A_123 = arith.select %lt3A_19, %parallel_loop3A_89, %parallel_loop3A_112 : vector<16xi1>, vector<16xf32>
      %parallel_loop3A_124 = arith.select %lt3A_19, %parallel_loop3A_90, %parallel_loop3A_122 : vector<16xi1>, vector<16xi32>
      %parallel_loop3A_125 = arith.constant dense<true> : vector<16xi1>
      %parallel_loop3A_126, %parallel_loop3A_127, %parallel_loop3A_128 = tpu.sort %parallel_loop3A_123, %parallel_loop3A_124 masked %parallel_loop3A_125 {descending = true} : (vector<16xf32>, vector<16xi32>, vector<16xi1>) -> (vector<16xi1>, vector<16xf32>, vector<16xi32>)
      %parallel_loop3A_129 = arith.constant 0 : i32
      %parallel_loop3A_130 = vector.broadcast %parallel_loop3A_129 : i32 to vector<16xi32>
      %parallel_loop3A_131 = arith.cmpi slt, %and3A_24, %parallel_loop3A_130 : vector<16xi32>
      %parallel_loop3A_132 = arith.constant 16 : i32
      %parallel_loop3A_133 = vector.broadcast %parallel_loop3A_132 : i32 to vector<16xi32>
      %parallel_loop3A_134 = arith.addi %and3A_24, %parallel_loop3A_133 : vector<16xi32>
      %parallel_loop3A_135 = arith.select %parallel_loop3A_131, %parallel_loop3A_134, %and3A_24 : vector<16xi1>, vector<16xi32>
      %parallel_loop3A_136 = vector.shape_cast %parallel_loop3A_135 : vector<16xi32> to vector<16x1xi32>
      %parallel_loop3A_137 = vector.shape_cast %parallel_loop3A_136 : vector<16x1xi32> to vector<16xi32>
      %parallel_loop3A_138 = tpu.dynamic_gather %parallel_loop3A_101[%parallel_loop3A_137] in [0] : vector<16xf32>, vector<16xi32> -> vector<16xf32>
      %parallel_loop3A_139 = arith.constant 0 : i32
      %parallel_loop3A_140 = vector.broadcast %parallel_loop3A_139 : i32 to vector<16xi32>
      %parallel_loop3A_141 = arith.cmpi slt, %and3A_24, %parallel_loop3A_140 : vector<16xi32>
      %parallel_loop3A_142 = arith.constant 16 : i32
      %parallel_loop3A_143 = vector.broadcast %parallel_loop3A_142 : i32 to vector<16xi32>
      %parallel_loop3A_144 = arith.addi %and3A_24, %parallel_loop3A_143 : vector<16xi32>
      %parallel_loop3A_145 = arith.select %parallel_loop3A_141, %parallel_loop3A_144, %and3A_24 : vector<16xi1>, vector<16xi32>
      %parallel_loop3A_146 = vector.shape_cast %parallel_loop3A_145 : vector<16xi32> to vector<16x1xi32>
      %parallel_loop3A_147 = vector.shape_cast %parallel_loop3A_146 : vector<16x1xi32> to vector<16xi32>
      %parallel_loop3A_148 = tpu.dynamic_gather %parallel_loop3A_102[%parallel_loop3A_147] in [0] : vector<16xi32>, vector<16xi32> -> vector<16xi32>
      %parallel_loop3A_149 = arith.select %lt3A_19, %parallel_loop3A_97, %parallel_loop3A_138 : vector<16xi1>, vector<16xf32>
      %parallel_loop3A_150 = arith.select %lt3A_19, %parallel_loop3A_98, %parallel_loop3A_148 : vector<16xi1>, vector<16xi32>
      %parallel_loop3A_151 = arith.constant dense<true> : vector<16xi1>
      %parallel_loop3A_152, %parallel_loop3A_153, %parallel_loop3A_154 = tpu.sort %parallel_loop3A_149, %parallel_loop3A_150 masked %parallel_loop3A_151 {descending = true} : (vector<16xf32>, vector<16xi32>, vector<16xi1>) -> (vector<16xi1>, vector<16xf32>, vector<16xi32>)
      %parallel_loop3A_155 = arith.constant 0 : i32
      %parallel_loop3A_156 = vector.broadcast %parallel_loop3A_155 : i32 to vector<16xi32>
      %parallel_loop3A_157 = arith.cmpi slt, %and3A_24, %parallel_loop3A_156 : vector<16xi32>
      %parallel_loop3A_158 = arith.constant 16 : i32
      %parallel_loop3A_159 = vector.broadcast %parallel_loop3A_158 : i32 to vector<16xi32>
      %parallel_loop3A_160 = arith.addi %and3A_24, %parallel_loop3A_159 : vector<16xi32>
      %parallel_loop3A_161 = arith.select %parallel_loop3A_157, %parallel_loop3A_160, %and3A_24 : vector<16xi1>, vector<16xi32>
      %parallel_loop3A_162 = vector.shape_cast %parallel_loop3A_161 : vector<16xi32> to vector<16x1xi32>
      %parallel_loop3A_163 = vector.shape_cast %parallel_loop3A_162 : vector<16x1xi32> to vector<16xi32>
      %parallel_loop3A_164 = tpu.dynamic_gather %parallel_loop3A_153[%parallel_loop3A_163] in [0] : vector<16xf32>, vector<16xi32> -> vector<16xf32>
      %parallel_loop3A_165 = arith.constant 0 : i32
      %parallel_loop3A_166 = vector.broadcast %parallel_loop3A_165 : i32 to vector<16xi32>
      %parallel_loop3A_167 = arith.cmpi slt, %and3A_24, %parallel_loop3A_166 : vector<16xi32>
      %parallel_loop3A_168 = arith.constant 16 : i32
      %parallel_loop3A_169 = vector.broadcast %parallel_loop3A_168 : i32 to vector<16xi32>
      %parallel_loop3A_170 = arith.addi %and3A_24, %parallel_loop3A_169 : vector<16xi32>
      %parallel_loop3A_171 = arith.select %parallel_loop3A_167, %parallel_loop3A_170, %and3A_24 : vector<16xi1>, vector<16xi32>
      %parallel_loop3A_172 = vector.shape_cast %parallel_loop3A_171 : vector<16xi32> to vector<16x1xi32>
      %parallel_loop3A_173 = vector.shape_cast %parallel_loop3A_172 : vector<16x1xi32> to vector<16xi32>
      %parallel_loop3A_174 = tpu.dynamic_gather %parallel_loop3A_154[%parallel_loop3A_173] in [0] : vector<16xi32>, vector<16xi32> -> vector<16xi32>
      %parallel_loop3A_175 = arith.select %lt3A_19, %parallel_loop3A_127, %parallel_loop3A_164 : vector<16xi1>, vector<16xf32>
      %parallel_loop3A_176 = arith.select %lt3A_19, %parallel_loop3A_128, %parallel_loop3A_174 : vector<16xi1>, vector<16xi32>
      %parallel_loop3A_177 = arith.constant dense<true> : vector<16xi1>
      %parallel_loop3A_178, %parallel_loop3A_179, %parallel_loop3A_180 = tpu.sort %parallel_loop3A_175, %parallel_loop3A_176 masked %parallel_loop3A_177 {descending = true} : (vector<16xf32>, vector<16xi32>, vector<16xi1>) -> (vector<16xi1>, vector<16xf32>, vector<16xi32>)
      %parallel_loop3A_181 = vector.broadcast %parallel_loop3A_86 : f32 to vector<16xf32>
      %parallel_loop3A_182 = arith.divf %parallel_loop3A_179, %parallel_loop3A_181 : vector<16xf32>
      tpu.vector_store_idx %arg6[%parallel_loop3A_68, %iota3A, %parallel_loop3A_71], %parallel_loop3A_182 masked %lt3A_19 : memref<8x8x129xf32, #tpu.memory_space<vmem>>[vector<16xi32>, vector<16xi32>, vector<16xi32>], vector<16xf32>, vector<16xi1>
      tpu.vector_store_idx %arg7[%parallel_loop3A_68, %iota3A, %parallel_loop3A_71], %parallel_loop3A_180 masked %lt3A_19 : memref<8x8x129xi32, #tpu.memory_space<vmem>>[vector<16xi32>, vector<16xi32>, vector<16xi32>], vector<16xi32>, vector<16xi1>
    } {sc.loop_unroll_factor = 2 : i64, sc.parallel_access}
    "tpu.region"() ({
      %run_scoped3A_65 = tpu.sem_alloc : memref<!tpu.dma_semaphore, #tpu.memory_space<semaphore_mem>>
      %dma_start3A = arith.constant 0 : i32
      %dma_start3A_66 = arith.constant 0 : i32
      %dma_start3A_67 = arith.constant 0 : i32
      %dma_start3A_68 = tpu.memref_slice %arg6[%dma_start3A, %dma_start3A_66, %dma_start3A_67] : memref<8x8x129xf32, #tpu.memory_space<vmem>> -> memref<8x8x128xf32, #tpu.memory_space<vmem>>
      %dma_start3A_69 = arith.constant 0 : i32
      %dma_start3A_70 = arith.constant 0 : i32
      %dma_start3A_71 = tpu.memref_slice %arg3[%mul3A_2, %dma_start3A_69, %dma_start3A_70] : memref<256x8x128xf32, #tpu.memory_space<hbm>> -> memref<8x8x128xf32, #tpu.memory_space<hbm>>
      %dma_start3A_72 = arith.constant 0 : i32
      %dma_start3A_73 = arith.constant 0 : i32
      %dma_start3A_74 = tpu.memref_slice %arg3[%mul3A_2, %dma_start3A_72, %dma_start3A_73] : memref<256x8x128xf32, #tpu.memory_space<hbm>> -> memref<8x8x128xf32, #tpu.memory_space<hbm>>
      %dma_start3A_75 = arith.constant 0 : i32
      %dma_start3A_76 = arith.constant 0 : i32
      %dma_start3A_77 = arith.constant 0 : i32
      %dma_start3A_78 = tpu.memref_slice %arg6[%dma_start3A_75, %dma_start3A_76, %dma_start3A_77] : memref<8x8x129xf32, #tpu.memory_space<vmem>> -> memref<8x8x128xf32, #tpu.memory_space<vmem>>
      tpu.enqueue_dma source(%dma_start3A_78 : memref<8x8x128xf32, #tpu.memory_space<vmem>>) target(%dma_start3A_74 : memref<8x8x128xf32, #tpu.memory_space<hbm>>) target_semaphore(%run_scoped3A_65 : memref<!tpu.dma_semaphore, #tpu.memory_space<semaphore_mem>>)
      %dma_wait3A = arith.constant 0 : i32
      %dma_wait3A_79 = arith.constant 0 : i32
      %dma_wait3A_80 = arith.constant 0 : i32
      %dma_wait3A_81 = tpu.memref_slice %arg6[%dma_wait3A, %dma_wait3A_79, %dma_wait3A_80] : memref<8x8x129xf32, #tpu.memory_space<vmem>> -> memref<8x8x128xf32, #tpu.memory_space<vmem>>
      %dma_wait3A_82 = arith.constant 0 : i32
      %dma_wait3A_83 = arith.constant 0 : i32
      %dma_wait3A_84 = tpu.memref_slice %arg3[%mul3A_2, %dma_wait3A_82, %dma_wait3A_83] : memref<256x8x128xf32, #tpu.memory_space<hbm>> -> memref<8x8x128xf32, #tpu.memory_space<hbm>>
      %dma_wait3A_85 = arith.constant 0 : i32
      %dma_wait3A_86 = arith.constant 0 : i32
      %dma_wait3A_87 = tpu.memref_slice %arg3[%mul3A_2, %dma_wait3A_85, %dma_wait3A_86] : memref<256x8x128xf32, #tpu.memory_space<hbm>> -> memref<8x8x128xf32, #tpu.memory_space<hbm>>
      %dma_wait3A_88 = arith.constant 0 : i32
      %dma_wait3A_89 = arith.constant 0 : i32
      %dma_wait3A_90 = arith.constant 0 : i32
      %dma_wait3A_91 = tpu.memref_slice %arg6[%dma_wait3A_88, %dma_wait3A_89, %dma_wait3A_90] : memref<8x8x129xf32, #tpu.memory_space<vmem>> -> memref<8x8x128xf32, #tpu.memory_space<vmem>>
      tpu.wait_dma2 semaphore(%run_scoped3A_65 : memref<!tpu.dma_semaphore, #tpu.memory_space<semaphore_mem>>) src(%dma_wait3A_91 : memref<8x8x128xf32, #tpu.memory_space<vmem>>) dst(%dma_wait3A_87 : memref<8x8x128xf32, #tpu.memory_space<hbm>>)
      tpu.yield
    }) : () -> ()
    "tpu.region"() ({
      %run_scoped3A_65 = tpu.sem_alloc : memref<!tpu.dma_semaphore, #tpu.memory_space<semaphore_mem>>
      %dma_start3A = arith.constant 0 : i32
      %dma_start3A_66 = arith.constant 0 : i32
      %dma_start3A_67 = arith.constant 0 : i32
      %dma_start3A_68 = tpu.memref_slice %arg7[%dma_start3A, %dma_start3A_66, %dma_start3A_67] : memref<8x8x129xi32, #tpu.memory_space<vmem>> -> memref<8x8x128xi32, #tpu.memory_space<vmem>>
      %dma_start3A_69 = arith.constant 0 : i32
      %dma_start3A_70 = arith.constant 0 : i32
      %dma_start3A_71 = tpu.memref_slice %arg4[%mul3A_2, %dma_start3A_69, %dma_start3A_70] : memref<256x8x128xi32, #tpu.memory_space<hbm>> -> memref<8x8x128xi32, #tpu.memory_space<hbm>>
      %dma_start3A_72 = arith.constant 0 : i32
      %dma_start3A_73 = arith.constant 0 : i32
      %dma_start3A_74 = tpu.memref_slice %arg4[%mul3A_2, %dma_start3A_72, %dma_start3A_73] : memref<256x8x128xi32, #tpu.memory_space<hbm>> -> memref<8x8x128xi32, #tpu.memory_space<hbm>>
      %dma_start3A_75 = arith.constant 0 : i32
      %dma_start3A_76 = arith.constant 0 : i32
      %dma_start3A_77 = arith.constant 0 : i32
      %dma_start3A_78 = tpu.memref_slice %arg7[%dma_start3A_75, %dma_start3A_76, %dma_start3A_77] : memref<8x8x129xi32, #tpu.memory_space<vmem>> -> memref<8x8x128xi32, #tpu.memory_space<vmem>>
      tpu.enqueue_dma source(%dma_start3A_78 : memref<8x8x128xi32, #tpu.memory_space<vmem>>) target(%dma_start3A_74 : memref<8x8x128xi32, #tpu.memory_space<hbm>>) target_semaphore(%run_scoped3A_65 : memref<!tpu.dma_semaphore, #tpu.memory_space<semaphore_mem>>)
      %dma_wait3A = arith.constant 0 : i32
      %dma_wait3A_79 = arith.constant 0 : i32
      %dma_wait3A_80 = arith.constant 0 : i32
      %dma_wait3A_81 = tpu.memref_slice %arg7[%dma_wait3A, %dma_wait3A_79, %dma_wait3A_80] : memref<8x8x129xi32, #tpu.memory_space<vmem>> -> memref<8x8x128xi32, #tpu.memory_space<vmem>>
      %dma_wait3A_82 = arith.constant 0 : i32
      %dma_wait3A_83 = arith.constant 0 : i32
      %dma_wait3A_84 = tpu.memref_slice %arg4[%mul3A_2, %dma_wait3A_82, %dma_wait3A_83] : memref<256x8x128xi32, #tpu.memory_space<hbm>> -> memref<8x8x128xi32, #tpu.memory_space<hbm>>
      %dma_wait3A_85 = arith.constant 0 : i32
      %dma_wait3A_86 = arith.constant 0 : i32
      %dma_wait3A_87 = tpu.memref_slice %arg4[%mul3A_2, %dma_wait3A_85, %dma_wait3A_86] : memref<256x8x128xi32, #tpu.memory_space<hbm>> -> memref<8x8x128xi32, #tpu.memory_space<hbm>>
      %dma_wait3A_88 = arith.constant 0 : i32
      %dma_wait3A_89 = arith.constant 0 : i32
      %dma_wait3A_90 = arith.constant 0 : i32
      %dma_wait3A_91 = tpu.memref_slice %arg7[%dma_wait3A_88, %dma_wait3A_89, %dma_wait3A_90] : memref<8x8x129xi32, #tpu.memory_space<vmem>> -> memref<8x8x128xi32, #tpu.memory_space<vmem>>
      tpu.wait_dma2 semaphore(%run_scoped3A_65 : memref<!tpu.dma_semaphore, #tpu.memory_space<semaphore_mem>>) src(%dma_wait3A_91 : memref<8x8x128xi32, #tpu.memory_space<vmem>>) dst(%dma_wait3A_87 : memref<8x8x128xi32, #tpu.memory_space<hbm>>)
      tpu.yield
    }) : () -> ()
    return
  }
}

</mosaic_0001>

<sc_bundles>
// kernel: kernel.3.cloned.1.call-start
scs
__scs_entry_jumppad:
0x0: {  	(pc) =	sbr.rel $0x88, $3  }
0x1: {  	(tag) =	ssettag $0x0;
	lr =	simm.s32 $0x1  }
0x2: {  	[smem:$0x3FA0] =	sst lr;
	_ =	strace $0xD0000000  }
0x3: {  	_ = 	snop  }
0x4: {  	_ = 	snop  }
0x5: {  	_ = 	snop  }
0x6: {  	_ = 	snop  }
0x7: {  	_ = 	snop  }
__scs_overlays_trampoline_lowered:
0x8: {  	[smem:$0x3FAF] =	sst s0  }
0x9: {  	[smem:$0x3FB0] =	sst s1  }
0xa: {  	[smem:$0x3FB1] =	sst s2  }
0xb: {  	[smem:$0x3FB2] =	sst s3  }
0xc: {  	[smem:$0x3FB3] =	sst s4  }
0xd: {  	[smem:$0x3FB4] =	sst s5  }
0xe: {  	[smem:$0x3FB5] =	sst s6  }
0xf: {  	[smem:$0x3FB6] =	sst s7  }
0x10: {  	[smem:$0x3FB7] =	sst s8  }
0x11: {  	[smem:$0x3FB8] =	sst s9;
	s0 =	simm.s32 @!p0 $0x0  }
0x12: {  	s1 =	sld [smem:$0x3F9E];
	s0 =	simm.s32 @p0 $0x1  }
0x13: {  	[smem:$0x3FB9] =	sst s0;
	s0 =	simm.s32 @!p1 $0x0  }
0x14: {  	s2 =	sld [smem:$0x3F9D];
	s0 =	simm.s32 @p1 $0x1  }
0x15: {  	[smem:$0x3FBA] =	sst s0;
	s0 =	simm.s32 @!p2 $0x0  }
0x16: {  	s3 =	sld [smem:$0x3FDB];
	s0 =	simm.s32 @p2 $0x1  }
0x17: {  	s4 =	simm.s32 $0x1BF5;
	[smem:$0x3FBC] =	sst s0  }
0x18: {  	s0 =	sld [smem:$0x3F9F];
	_ =	swait.ge [sflag:s4], $0x0  }
0x19: {  	s7 =	sld [smem:$0x3FA0]  }
0x1a: {  	s8 =	sadd.s32 $0xFFFFE003, lr  }
0x1b: {  	s9 =	sadd.s32 $0xFFFFFEF7, lr;
	s5 =	simm.s32 $0xFFFFFFFF;
	p2 =	slt.u32 s8, $0xFFFFF086  }
0x1c: {  	p1 =	slt.u32 s9, $0xF7A;
	s5 =	simm.s32 @!p2 $0x0  }
0x1d: {  	s5 =	simm.s32 @p1 $0x1;
	p0 =	seq.s32 s7, s2  }
0x1e: {  	s7 =	smul.u32 @!p0 $0xF7A, s2;
	p2 =	seq.s32 @!p0 s5, $0x0  }
0x1f: {  	s9 =	smul.u32 $0xF7A, s1;
	s8 =	simm.s32 @!p0 $0x1BF5;
	p2 =	por !p2, p0  }
0x20: {  	[sflag:s8] =	ssyncset.s32 @!p0 $0xFFFFF086;
	s6 =	sadd.s32 @!p0 s3, s7;
	s7 =	simm.s32 @!p0 $0x108  }
0x21: {  	s3 =	sadd.s32 s3, s9;
	s6 =	sadd.s32 @!p0 $0x88, s6;
	s7 =	simm.s32 @p2 $0x1082  }
0x22: {  	[simem:s7], [sflag:s8] =	dma.local @!p0 [hbm:s6], $0xF7A  }
0x23: {  	s9 =	sor.u32 $0xD0000000, s2;
	s6 =	simm.s32 $0x108;
	_ =	swait.ge @!p0 [sflag:s8], $0x0  }
0x24: {  	s3 =	sadd.s32 $0x88, s3;
	s6 =	simm.s32 @!p1 $0x1082;
	[sflag:s4] =	ssyncset.s32 $0xFFFFF086  }
0x25: {  	[simem:s6], [sflag:s4] =	dma.local [hbm:s3], $0xF7A  }
0x26: {  	[smem:$0x3FA0] =	sst s1;
	(tag) =	ssettag s2;
	_ =	strace s9  }
0x27: {  	s1 =	sld [smem:$0x3FB0]  }
0x28: {  	s2 =	sld [smem:$0x3FB1]  }
0x29: {  	s4 =	sld [smem:$0x3FB3]  }
0x2a: {  	p0 =	seq.s32 s5, $0x0;
	s5 =	sld [smem:$0x3FB4]  }
0x2b: {  	s6 =	sld [smem:$0x3FB5]  }
0x2c: {  	s7 =	sld [smem:$0x3FB6]  }
0x2d: {  	s3 =	simm.s32 $0x108;
	s8 =	sld [smem:$0x3FB7]  }
0x2e: {  	s3 =	simm.s32 @!p0 $0x1082;
	s9 =	sld [smem:$0x3FB8]  }
0x2f: {  	lr =	sadd.s32 s0, s3;
	s0 =	sld [smem:$0x3FAF]  }
0x30: {  	s3 =	sld [smem:$0x3FB2]  }
0x31: {  	[smem:$0x3FBB] =	sst s10  }
0x32: {  	s10 =	sld [smem:$0x3FB9];
	_ =	sdelay $0x3  }
0x33: {  	p0 =	seq.s32 s10, $0x1;
	s10 =	sld [smem:$0x3FBB];
	_ =	sdelay $0x3  }
0x34: {  	[smem:$0x3FBB] =	sst s10  }
0x35: {  	s10 =	sld [smem:$0x3FBA];
	_ =	sdelay $0x3  }
0x36: {  	p1 =	seq.s32 s10, $0x1;
	s10 =	sld [smem:$0x3FBB];
	_ =	sdelay $0x3  }
0x37: {  	[smem:$0x3FBB] =	sst s10  }
0x38: {  	s10 =	sld [smem:$0x3FBC]  }
0x39: {  	_ = 	snop;
	(pc) =	sbr.ind lr, $3  }
0x3a: {  	_ = 	snop  }
0x3b: {  	_ = 	snop  }
0x3c: {  	p2 =	seq.s32 s10, $0x1;
	s10 =	sld [smem:$0x3FBB]  }
0x3d: {  	_ =	shalt  }
0x3e: {  	_ =	shalt  }
0x3f: {  	_ =	shalt  }
0x40: {  	_ =	shalt  }
0x41: {  	_ =	shalt  }
0x42: {  	_ =	shalt  }
0x43: {  	_ =	shalt  }
0x44: {  	_ =	shalt  }
0x45: {  	_ =	shalt  }
0x46: {  	_ =	shalt  }
0x47: {  	_ =	shalt  }
0x48: {  	_ =	shalt  }
0x49: {  	_ =	shalt  }
0x4a: {  	_ =	shalt  }
0x4b: {  	_ =	shalt  }
0x4c: {  	_ =	shalt  }
0x4d: {  	_ =	shalt  }
0x4e: {  	_ =	shalt  }
0x4f: {  	_ =	shalt  }
0x50: {  	_ =	shalt  }
0x51: {  	_ =	shalt  }
0x52: {  	_ =	shalt  }
0x53: {  	_ =	shalt  }
0x54: {  	_ =	shalt  }
0x55: {  	_ =	shalt  }
0x56: {  	_ =	shalt  }
0x57: {  	_ =	shalt  }
0x58: {  	_ =	shalt  }
0x59: {  	_ =	shalt  }
0x5a: {  	_ =	shalt  }
0x5b: {  	_ =	shalt  }
0x5c: {  	_ =	shalt  }
0x5d: {  	_ =	shalt  }
0x5e: {  	_ =	shalt  }
0x5f: {  	_ =	shalt  }
0x60: {  	_ =	shalt  }
0x61: {  	_ =	shalt  }
0x62: {  	_ =	shalt  }
0x63: {  	_ =	shalt  }
0x64: {  	_ =	shalt  }
0x65: {  	_ =	shalt  }
0x66: {  	_ =	shalt  }
0x67: {  	_ =	shalt  }
0x68: {  	_ =	shalt  }
0x69: {  	_ =	shalt  }
0x6a: {  	_ =	shalt  }
0x6b: {  	_ =	shalt  }
0x6c: {  	_ =	shalt  }
0x6d: {  	_ =	shalt  }
0x6e: {  	_ =	shalt  }
0x6f: {  	_ =	shalt  }
0x70: {  	_ =	shalt  }
0x71: {  	_ =	shalt  }
0x72: {  	_ =	shalt  }
0x73: {  	_ =	shalt  }
0x74: {  	_ =	shalt  }
0x75: {  	_ =	shalt  }
0x76: {  	_ =	shalt  }
0x77: {  	_ =	shalt  }
0x78: {  	_ =	shalt  }
0x79: {  	_ =	shalt  }
0x7a: {  	_ =	shalt  }
0x7b: {  	_ =	shalt  }
0x7c: {  	_ =	shalt  }
0x7d: {  	_ =	shalt  }
0x7e: {  	_ =	shalt  }
0x7f: {  	_ =	shalt  }
0x80: {  	_ =	shalt  }
0x81: {  	_ =	shalt  }
0x82: {  	_ =	shalt  }
0x83: {  	_ =	shalt  }
0x84: {  	_ =	shalt  }
0x85: {  	_ =	shalt  }
0x86: {  	_ =	shalt  }
0x87: {  	_ =	shalt  }
.Lfunc_end0:
.L_simem_size_0:
called_computation_lowered:
.L_overlay_start_0:
0x88: {  	s2 =	sld [smem:$0x3FD9]  }
0x89: {  	s3 =	sld [smem:$0x3FFE];
	_ =	sdelay $0x1  }
0x8a: {  	s1 =	srdreg.scid  }
0x8b: {  	s0 =	sand.u32 $0x1, s1  }
0x8c: {  	s15 =	sshll.u32 s0, $0xA;
	s2 =	sadd.s32 s3, s2  }
0x8d: {  	s2 =	sadd.s32 s2, s15  }
0x8e: {  	[smem:$0x3FC7] =	sst s2  }
0x8f: {  	_ = 	snop  }
0x90: {  	s2 =	sld [smem:$0x3FD0];
	_ =	sdelay $0x2  }
0x91: {  	s4 =	simm.s32 $0xA;
	s5 =	simm.s32 $0x10;
	s16 =	sld [smem:$0x3FC9]  }
0x92: {  	[smem:s5], [sflag:s4] =	dma.local [hbm:s2], $0x1  }
0x93: {  	_ =	swait.eq [sflag:s4], $0x1  }
0x94: {  	[sflag:s4] =	ssyncset.done $0x0  }
0x95: {  	s17 =	sld [smem:$0x10];
	[sflag:s4] =	ssyncadd.s32 $0xFFFFFFFF  }
0x96: {  	s18 =	sld [smem:$0x11];
	(tm) =	ssettm $0x1  }
0x97: {  	s19 =	sld [smem:$0x3FFB];
	_ =	sdelay $0x3  }
0x98: {  	_ =	strace s19  }
0x99: {  	s5 =	sld [smem:$0x3FFC];
	_ =	sdelay $0x3  }
0x9a: {  	_ =	strace s5  }
0x9b: {  	s5 =	sld [smem:$0x3FFD];
	_ =	sdelay $0x3  }
0x9c: {  	_ =	strace s5  }
0x9d: {  	_ =	strace $0x8FFFFFFF  }
0x9e: {  	s20 =	sld [smem:$0x3FDB];
	_ =	sdelay $0x1  }
0x9f: {  	s6 =	simm.s32 $_scs_section_size  }
0xa0: {  	s7 =	simm.s32 $_size__tile_overlayer_lowered;
	s8 =	simm.s32 $_tile_overlayer_lowered  }
0xa1: {  	s23 =	simm.s32 $0x1BFF;
	s22 =	sshll.u32 s8, $0x1;
	s5 =	sadd.s32 s6, s20  }
0xa2: {  	s9 =	simm.s32 $0x0;
	s21 =	sshll.u32 s7, $0x1;
	s7 =	sadd.s32 s22, s5  }
0xa3: {  	[timem:s9], [sflag:s23] =	dma.local [hbm:s7], s21  }
0xa4: {  	_ =	swait.ge [sflag:s23], s21  }
0xa5: {  	s6 =	ssub.s32 $0x0, s21;
	[sflag:s23] =	ssyncset.done $0x0  }
0xa6: {  	[sflag:s23] =	ssyncadd.s32 s6;
	_ =	sdelay $0x1  }
0xa7: {  	s24 =	simm.s32 $0x1B8B  }
0xa8: {  	_ =	swait.ge [sflag:s24], $0x1  }
0xa9: {  	[sflag:s24] =	ssyncset.done $0x0  }
0xaa: {  	s25 =	simm.s32 $0x1B8E;
	[sflag:s24] =	ssyncadd.s32 $0xFFFFFFFF  }
0xab: {  	s26 =	simm.s32 $execute0_lowered;
	[smem:$0x3FD2] =	sst s25  }
0xac: {  	s6 =	sshll.u32 s26, $0x1;
	_ =	strace $0x80000046;
	[dreg:$0x1] =	wrdreg $0xFFFFFFFF  }
0xad: {  	s28 =	simm.s32 $_size_execute0_lowered;
	s5 =	sadd.s32 s5, s6;
	[dreg:$0x0] =	wrdreg $0x0  }
0xae: {  	s6 =	sshll.u32 s28, $0x1;
	[dreg:$0x2] =	wrdreg s5  }
0xaf: {  	[dreg:$0x3] =	wrdreg s6  }
0xb0: {  	[dreg:$0x4] =	wrdreg $0xC0  }
0xb1: {  	_ =	task [dreg:s9], $0x5FFFF  }
0xb2: {  	[dreg:$0x1] =	wrdreg $0xFFFFFFFF  }
0xb3: {  	[dreg:$0x0] =	wrdreg $0x60  }
0xb4: {  	[dreg:$0x2] =	wrdreg s16  }
0xb5: {  	[dreg:$0x3] =	wrdreg s17  }
0xb6: {  	[dreg:$0x4] =	wrdreg s18  }
0xb7: {  	[dreg:$0x5] =	wrdreg $0x9  }
0xb8: {  	_ =	task.clear_ibuf [dreg:s9], $0x6FFFF;
	_ =	strace $0x90000046  }
0xb9: {  	s29 =	simm.s32 $0x9;
	_ =	strace $0x80000048  }
0xba: {  	_ =	swait.ge [sflag:s29], $0x1  }
0xbb: {  	[sflag:s29] =	ssyncadd.s32 $0xFFFFFFFF  }
0xbc: {  	_ =	strace $0x90000048  }
0xbd: {  	_ =	sfence  }
0xbe: {  	s30 =	sld [smem:$0x0];
	_ =	sdelay $0x2  }
0xbf: {  	s31 =	sshll.u32 s1, $0xD;
	s1 =	sshrl.u32 s1, $0x2  }
0xc0: {  	s3 =	sand.u32 $0x4000, s31;
	s1 =	sadd.s32 s1, s30  }
0xc1: {  	s0 =	sor.u32 s3, s0;
	s1 =	sshll.u32 s1, $0x11  }
0xc2: {  	s0 =	sor.u32 s1, s0  }
0xc3: {  	s0 =	sadd.s32 $0x8F2B, s0  }
0xc4: {  	[sflag:s0] =	ssyncadd.remote.s32 $0x1  }
0xc5: {  	_ =	sfence.sel $0xFFFF  }
0xc6: {  	[dreg:$0x0] =	wrdreg $0xFFFFFFFF;
	(pc) =	sbr.abs _section_cstart, $3  }
0xc7: {  	[dreg:$0x1] =	wrdreg $0xFFFFFFFF  }
0xc8: {  	_ =	task.clear_ibuf [dreg:s9], $0x2FFFF;
	_ =	strace $0x9FFFFFFF  }
0xc9: {  	(tm) =	ssettm $0x7FFFFFFF  }
tec
execute0_lowered:
.L_overlay_start_1:
0x0: {  	(tag) =	ssettag $0x1  }
0x1: {  	v0 =	vimm.s32 $0x25B8;
	vm14 =	vcmask $0x300;
	vm13 =	vcmask $0x704  }
0x2: {  	vm12 =	vcmask $0xB08;
	vm11 =	vcmask $0xF0C;
	vm10 =	vcmask $0x1310  }
0x3: {  	vm9 =	vcmask $0x1714;
	vm8 =	vcmask $0x1B18;
	vm7 =	vcmask $0x1F1C  }
0x4: {  	vm6 =	vcmask $0x2320;
	vm5 =	vcmask $0x2724;
	vm4 =	vcmask $0x2B28  }
0x5: {  	vm3 =	vcmask $0x2F2C;
	vm2 =	vcmask $0x3330;
	v1 =	vimm.s32 $0x69B8  }
0x6: {  	vm1 =	vcmask $0x3734;
	v2 =	vimm.s32 $0xADB8;
	vm0 =	vcmask $0x3B38  }
0x7: {  	v3 =	vimm.s32 $0xF1B8;
	v4 =	vimm.s32 $0xFEDCBA98;
	v5 =	vimm.s32 $0x76543210  }
0x8: {  	v0 =	vsel vm14, $0x0, v0;
	v1 =	vsel vm14, $0x4400, v1;
	v2 =	vsel vm14, $0x8800, v2  }
0x9: {  	v3 =	vsel vm14, $0xCC00, v3;
	v4 =	vunpack.c.l.s4.s8 v4;
	v6 =	vunpack.c.l.s4.s8 v5  }
0xa: {  	v0 =	vsel vm13, $0x88, v0;
	v1 =	vsel vm13, $0x4488, v1;
	v2 =	vsel vm13, $0x8888, v2  }
0xb: {  	v3 =	vsel vm13, $0xCC88, v3;
	v0 =	vsel vm12, $0x110, v0;
	v1 =	vsel vm12, $0x4510, v1  }
0xc: {  	v2 =	vsel vm12, $0x8910, v2;
	v3 =	vsel vm12, $0xCD10, v3;
	v8 =	vunpack.c.0.s8.s32 v4  }
0xd: {  	v9 =	vunpack.c.0.s8.s32 v6;
	v0 =	vsel vm11, $0x198, v0;
	v1 =	vsel vm11, $0x4598, v1  }
0xe: {  	v2 =	vsel vm11, $0x8998, v2;
	v3 =	vsel vm11, $0xCD98, v3;
	v0 =	vsel vm10, $0x220, v0  }
0xf: {  	v1 =	vsel vm10, $0x4620, v1;
	v2 =	vsel vm10, $0x8A20, v2;
	v3 =	vsel vm10, $0xCE20, v3  }
0x10: {  	v8 =	vand.u32 $0xF, v8;
	v0 =	vsel vm9, $0x2A8, v0;
	v1 =	vsel vm9, $0x46A8, v1  }
0x11: {  	v2 =	vsel vm9, $0x8AA8, v2;
	v3 =	vsel vm9, $0xCEA8, v3;
	v8 =	vcombine.low v8, v9  }
0x12: {  	v0 =	vsel vm8, $0x330, v0;
	v1 =	vsel vm8, $0x4730, v1;
	v2 =	vsel vm8, $0x8B30, v2  }
0x13: {  	v3 =	vsel vm8, $0xCF30, v3;
	v0 =	vsel vm7, $0x3B8, v0;
	v1 =	vsel vm7, $0x47B8, v1  }
0x14: {  	s3 =	rddreg [dreg:$0x0];
	v2 =	vsel vm7, $0x8BB8, v2;
	v3 =	vsel vm7, $0xCFB8, v3;
	v0 =	vsel vm6, $0x2200, v0  }
0x15: {  	s11 =	rddreg [dreg:$0x1];
	v1 =	vsel vm6, $0x6600, v1;
	v2 =	vsel vm6, $0xAA00, v2;
	v3 =	vsel vm6, $0xEE00, v3  }
0x16: {  	s12 =	rddreg [dreg:$0x2];
	s2 =	srdreg.scid;
	v0 =	vsel vm5, $0x2288, v0;
	v1 =	vsel vm5, $0x6688, v1;
	v2 =	vsel vm5, $0xAA88, v2  }
0x17: {  	s0 =	rddreg [dreg:$0x3];
	s1 =	stileid.u32;
	s15 =	simm.s32 $0x11000;
	v3 =	vsel vm5, $0xEE88, v3;
	v0 =	vsel vm4, $0x2310, v0;
	v1 =	vsel vm4, $0x6710, v1  }
0x18: {  	s16 =	simm.s32 $0x13200;
	s17 =	simm.s32 $0x0;
	s4 =	sand.u32 $0x1, s2;
	v2 =	vsel vm4, $0xAB10, v2;
	v3 =	vsel vm4, $0xEF10, v3;
	v0 =	vsel vm3, $0x2398, v0  }
0x19: {  	s2 =	simm.s32 $0x0;
	s5 =	sshll.u32 s1, $0xB;
	s6 =	sshll.u32 s4, $0xA;
	v1 =	vsel vm3, $0x6798, v1;
	v2 =	vsel vm3, $0xAB98, v2;
	v3 =	vsel vm3, $0xEF98, v3  }
0x1a: {  	[smem:$0x7FF] =	sst s2;
	s4 =	ssub.s32 $0x2, s4;
	s13 =	sor.u32 s6, s5;
	v0 =	vsel vm2, $0x2420, v0;
	v1 =	vsel vm2, $0x6820, v1;
	v2 =	vsel vm2, $0xAC20, v2  }
0x1b: {  	_ =	strace $0x80000047;
	s31 =	sshrl.u32 s4, $0x1;
	s3 =	sadd.s32 s3, s13;
	v3 =	vsel vm2, $0xF020, v3;
	v0 =	vsel vm1, $0x24A8, v0;
	v1 =	vsel vm1, $0x68A8, v1  }
0x1c: {  	s14 =	ssub.s32 s4, s31;
	s11 =	sadd.s32 s11, s13;
	s12 =	sadd.s32 s12, s13;
	v2 =	vsel vm1, $0xACA8, v2;
	v5 =	vsel vm1, $0xF0A8, v3;
	v3 =	vlaneseq.u32  }
0x1d: {  	s4 =	sadd.s32 $0x8000, s3;
	s5 =	sadd.s32 $0x10000, s3;
	s6 =	sadd.s32 $0x18000, s3;
	v0 =	vsel vm0, $0x2530, v0;
	v1 =	vsel vm0, $0x6930, v1;
	v2 =	vsel vm0, $0xAD30, v2  }
0x1e: {  	s7 =	sadd.s32 $0x20000, s3;
	s8 =	sadd.s32 $0x28000, s3;
	s9 =	sadd.s32 $0x30000, s3;
	v4 =	vsel vm0, $0xF130, v5;
	v5 =	vor.u32 $0x10, v3;
	v6 =	vor.u32 $0x20, v3  }
0x1f: {  	s10 =	sadd.s32 $0x38000, s3;
	s13 =	smax.u32 s14, $0x1;
	s14 =	simm.s32 $0x1;
	v7 =	vor.u32 $0x30, v3;
	vm0 =	vmmov $0xff;
	v9 =	vmul.u32 $0x88, v3  }
.LBB2_1:
0x20: {  	s18 =	simm.s32 $0x10  }
0x21: {  	s21 =	sadd.s32 $0x0, s3;
	s19 =	simm.s32 $0x88;
	s20 =	simm.s32 $0x0  }
.LBB2_2:
0x22: {  	[tilespmem:s20], [sflag:$0x1] =	stream.linear.gather [hbm4b:s21+s2], $0x80, $0x38;
	[tilespmem:$0x15400] =	vst v63  }
0x23: {  	s21 =	smov.u32 s18;
	s20 =	smov.u32 s19;
	p0 =	sne.s32 s18, $0x3F0  }
.Ltmp0:
0x24: {  	s18 =	sadd.s32 $0x10, s18;
	(pc) =	sbr.rel @p0 .LBB2_2-.Ltmp0, $2  }
0x25: {  	_ =	sdelay $0x2  }
0x26: {  	s19 =	sadd.s32 $0x88, s19;
	s21 =	sadd.s32 s21, s3  }
0x27: {  	[tilespmem:s20], [sflag:$0x1] =	stream.linear.gather [hbm4b:s21+s2], $0x80, $0x38;
	[tilespmem:$0x15400] =	vst v63  }
0x28: {  	_ =	swait.ge [sflag:s14], $0x2000  }
0x29: {  	s18 =	simm.s32 $0x2200;
	s19 =	simm.s32 $0x10;
	[sflag:s14] =	ssyncset.done $0x0  }
0x2a: {  	s21 =	sadd.s32 $0x0, s4;
	s20 =	simm.s32 $0x2288;
	[sflag:s14] =	ssyncadd.s32 $0xFFFFE000  }
.LBB2_4:
0x2b: {  	[tilespmem:s18], [sflag:$0x1] =	stream.linear.gather [hbm4b:s21+s2], $0x80, $0x38;
	[tilespmem:$0x15400] =	vst v63  }
0x2c: {  	s21 =	smov.u32 s19;
	s18 =	smov.u32 s20;
	p0 =	sne.s32 s19, $0x3F0  }
.Ltmp1:
0x2d: {  	s19 =	sadd.s32 $0x10, s19;
	(pc) =	sbr.rel @p0 .LBB2_4-.Ltmp1, $2  }
0x2e: {  	_ =	sdelay $0x2  }
0x2f: {  	s20 =	sadd.s32 $0x88, s20;
	s21 =	sadd.s32 s21, s4  }
0x30: {  	[tilespmem:s18], [sflag:$0x1] =	stream.linear.gather [hbm4b:s21+s2], $0x80, $0x38;
	[tilespmem:$0x15400] =	vst v63  }
0x31: {  	_ =	swait.ge [sflag:s14], $0x2000  }
0x32: {  	s18 =	simm.s32 $0x4400;
	s19 =	simm.s32 $0x10;
	[sflag:s14] =	ssyncset.done $0x0  }
0x33: {  	s21 =	sadd.s32 $0x0, s5;
	s20 =	simm.s32 $0x4488;
	[sflag:s14] =	ssyncadd.s32 $0xFFFFE000  }
.LBB2_6:
0x34: {  	[tilespmem:s18], [sflag:$0x1] =	stream.linear.gather [hbm4b:s21+s2], $0x80, $0x38;
	[tilespmem:$0x15400] =	vst v63  }
0x35: {  	s21 =	smov.u32 s19;
	s18 =	smov.u32 s20;
	p0 =	sne.s32 s19, $0x3F0  }
.Ltmp2:
0x36: {  	s19 =	sadd.s32 $0x10, s19;
	(pc) =	sbr.rel @p0 .LBB2_6-.Ltmp2, $2  }
0x37: {  	_ =	sdelay $0x2  }
0x38: {  	s20 =	sadd.s32 $0x88, s20;
	s21 =	sadd.s32 s21, s5  }
0x39: {  	[tilespmem:s18], [sflag:$0x1] =	stream.linear.gather [hbm4b:s21+s2], $0x80, $0x38;
	[tilespmem:$0x15400] =	vst v63  }
0x3a: {  	_ =	swait.ge [sflag:s14], $0x2000  }
0x3b: {  	s18 =	simm.s32 $0x6600;
	s19 =	simm.s32 $0x10;
	[sflag:s14] =	ssyncset.done $0x0  }
0x3c: {  	s21 =	sadd.s32 $0x0, s6;
	s20 =	simm.s32 $0x6688;
	[sflag:s14] =	ssyncadd.s32 $0xFFFFE000  }
.LBB2_8:
0x3d: {  	[tilespmem:s18], [sflag:$0x1] =	stream.linear.gather [hbm4b:s21+s2], $0x80, $0x38;
	[tilespmem:$0x15400] =	vst v63  }
0x3e: {  	s21 =	smov.u32 s19;
	s18 =	smov.u32 s20;
	p0 =	sne.s32 s19, $0x3F0  }
.Ltmp3:
0x3f: {  	s19 =	sadd.s32 $0x10, s19;
	(pc) =	sbr.rel @p0 .LBB2_8-.Ltmp3, $2  }
0x40: {  	_ =	sdelay $0x2  }
0x41: {  	s20 =	sadd.s32 $0x88, s20;
	s21 =	sadd.s32 s21, s6  }
0x42: {  	[tilespmem:s18], [sflag:$0x1] =	stream.linear.gather [hbm4b:s21+s2], $0x80, $0x38;
	[tilespmem:$0x15400] =	vst v63  }
0x43: {  	_ =	swait.ge [sflag:s14], $0x2000  }
0x44: {  	s18 =	simm.s32 $0x8800;
	s19 =	simm.s32 $0x10;
	[sflag:s14] =	ssyncset.done $0x0  }
0x45: {  	s21 =	sadd.s32 $0x0, s7;
	s20 =	simm.s32 $0x8888;
	[sflag:s14] =	ssyncadd.s32 $0xFFFFE000  }
.LBB2_10:
0x46: {  	[tilespmem:s18], [sflag:$0x1] =	stream.linear.gather [hbm4b:s21+s2], $0x80, $0x38;
	[tilespmem:$0x15400] =	vst v63  }
0x47: {  	s21 =	smov.u32 s19;
	s18 =	smov.u32 s20;
	p0 =	sne.s32 s19, $0x3F0  }
.Ltmp4:
0x48: {  	s19 =	sadd.s32 $0x10, s19;
	(pc) =	sbr.rel @p0 .LBB2_10-.Ltmp4, $2  }
0x49: {  	_ =	sdelay $0x2  }
0x4a: {  	s20 =	sadd.s32 $0x88, s20;
	s21 =	sadd.s32 s21, s7  }
0x4b: {  	[tilespmem:s18], [sflag:$0x1] =	stream.linear.gather [hbm4b:s21+s2], $0x80, $0x38;
	[tilespmem:$0x15400] =	vst v63  }
0x4c: {  	_ =	swait.ge [sflag:s14], $0x2000  }
0x4d: {  	s18 =	simm.s32 $0xAA00;
	s19 =	simm.s32 $0x10;
	[sflag:s14] =	ssyncset.done $0x0  }
0x4e: {  	s21 =	sadd.s32 $0x0, s8;
	s20 =	simm.s32 $0xAA88;
	[sflag:s14] =	ssyncadd.s32 $0xFFFFE000  }
.LBB2_12:
0x4f: {  	[tilespmem:s18], [sflag:$0x1] =	stream.linear.gather [hbm4b:s21+s2], $0x80, $0x38;
	[tilespmem:$0x15400] =	vst v63  }
0x50: {  	s21 =	smov.u32 s19;
	s18 =	smov.u32 s20;
	p0 =	sne.s32 s19, $0x3F0  }
.Ltmp5:
0x51: {  	s19 =	sadd.s32 $0x10, s19;
	(pc) =	sbr.rel @p0 .LBB2_12-.Ltmp5, $2  }
0x52: {  	_ =	sdelay $0x2  }
0x53: {  	s20 =	sadd.s32 $0x88, s20;
	s21 =	sadd.s32 s21, s8  }
0x54: {  	[tilespmem:s18], [sflag:$0x1] =	stream.linear.gather [hbm4b:s21+s2], $0x80, $0x38;
	[tilespmem:$0x15400] =	vst v63  }
0x55: {  	_ =	swait.ge [sflag:s14], $0x2000  }
0x56: {  	s18 =	simm.s32 $0xCC00;
	s19 =	simm.s32 $0x10;
	[sflag:s14] =	ssyncset.done $0x0  }
0x57: {  	s21 =	sadd.s32 $0x0, s9;
	s20 =	simm.s32 $0xCC88;
	[sflag:s14] =	ssyncadd.s32 $0xFFFFE000  }
.LBB2_14:
0x58: {  	[tilespmem:s18], [sflag:$0x1] =	stream.linear.gather [hbm4b:s21+s2], $0x80, $0x38;
	[tilespmem:$0x15400] =	vst v63  }
0x59: {  	s21 =	smov.u32 s19;
	s18 =	smov.u32 s20;
	p0 =	sne.s32 s19, $0x3F0  }
.Ltmp6:
0x5a: {  	s19 =	sadd.s32 $0x10, s19;
	(pc) =	sbr.rel @p0 .LBB2_14-.Ltmp6, $2  }
0x5b: {  	_ =	sdelay $0x2  }
0x5c: {  	s20 =	sadd.s32 $0x88, s20;
	s21 =	sadd.s32 s21, s9  }
0x5d: {  	[tilespmem:s18], [sflag:$0x1] =	stream.linear.gather [hbm4b:s21+s2], $0x80, $0x38;
	[tilespmem:$0x15400] =	vst v63  }
0x5e: {  	_ =	swait.ge [sflag:s14], $0x2000  }
0x5f: {  	s18 =	simm.s32 $0xEE00;
	s20 =	simm.s32 $0x10;
	[sflag:s14] =	ssyncset.done $0x0  }
0x60: {  	s19 =	sadd.s32 $0x0, s10;
	s21 =	simm.s32 $0xEE88;
	[sflag:s14] =	ssyncadd.s32 $0xFFFFE000  }
.LBB2_16:
0x61: {  	[tilespmem:s18], [sflag:$0x1] =	stream.linear.gather [hbm4b:s19+s2], $0x80, $0x38;
	[tilespmem:$0x15400] =	vst v63  }
0x62: {  	s19 =	smov.u32 s20;
	s18 =	smov.u32 s21;
	p0 =	sne.s32 s20, $0x3F0  }
.Ltmp7:
0x63: {  	s20 =	sadd.s32 $0x10, s20;
	(pc) =	sbr.rel @p0 .LBB2_16-.Ltmp7, $2  }
0x64: {  	_ =	sdelay $0x2  }
0x65: {  	s21 =	sadd.s32 $0x88, s21;
	s19 =	sadd.s32 s19, s10  }
0x66: {  	s20 =	simm.s32 $0x0  }
0x67: {  	v10 =	vmov s20  }
0x68: {  	v10 =	vmul.u32 $0x440, v10;
	_ =	sdelay $0x1  }
0x69: {  	s24 =	simm.s32 $0x0;
	s21 =	simm.s32 $0x1;
	v14 =	vbroadcast v10, $0x0  }
0x6a: {  	v11 =	vmov s21;
	v10 =	vmov s24  }
0x6b: {  	v15 =	vand.u32 $0x78, v11;
	v16 =	vand.u32 $0x78, v10;
	v12 =	vadd.s32 v4, v14  }
0x6c: {  	v10 =	vand.u32 $0x6, v10;
	v13 =	vadd.s32 v2, v14;
	v17 =	vadd.s32 v16, v12  }
0x6d: {  	v11 =	vand.u32 $0x7, v11;
	v18 =	vadd.s32 v15, v13;
	v17 =	vor.u32 v10, v17  }
0x6e: {  	[tilespmem:s18], [sflag:$0x1] =	stream.linear.gather [hbm4b:s19+s2], $0x80, $0x38;
	v18 =	vor.u32 v11, v18;
	[tilespmem:$0x15400] =	vst v63  }
0x6f: {  	_ =	swait.ge [sflag:s14], $0x2000;
	v12 =	vadd.s32 v15, v12  }
0x70: {  	[sflag:s14] =	ssyncset.done $0x0;
	v12 =	vor.u32 v11, v12  }
0x71: {  	[sflag:s14] =	ssyncadd.s32 $0xFFFFE000  }
0x72: {  	v19 =	vadd.s32 v0, v14;
	v17 =	vld.idx.msk [tilespmem:v17+s2+$0x0], $0xffff  }
0x73: {  	v20 =	vadd.s32 v1, v14;
	v21 =	vadd.s32 v15, v19;
	v18 =	vld.idx.msk [tilespmem:v18+s2+$0x0], $0xffff  }
0x74: {  	v22 =	vadd.s32 v16, v20;
	v21 =	vor.u32 v11, v21  }
0x75: {  	v22 =	vor.u32 v10, v22;
	v12 =	vld.idx.msk [tilespmem:v12+s2+$0x0], $0xffff;
	_ =	sdelay $0x1  }
0x76: {  	v20 =	vadd.s32 v15, v20;
	v17 =	vmul.f32 $1.442695020e+00, v17  }
0x77: {  	v20 =	vor.u32 v11, v20;
	v18 =	vmul.f32 $1.442695020e+00, v18  }
0x78: {  	(erf) = vpow2.f32 v17;
	v17 =	vld.idx.msk [tilespmem:v21+s2+$0x0], $0xffff  }
0x79: {  	v12 =	vmul.f32 $1.442695020e+00, v12;
	(erf) = vpow2.f32 v18;
	v18 =	vld.idx.msk [tilespmem:v22+s2+$0x0], $0xffff;
	_ =	sdelay $0x1  }
0x7a: {  	(erf) = vpow2.f32 v12  }
0x7b: {  	v12 =	vld.idx.msk [tilespmem:v20+s2+$0x0], $0xffff  }
0x7c: {  	v19 =	vadd.s32 v16, v19;
	v13 =	vadd.s32 v16, v13  }
0x7d: {  	s25 =	simm.s32 $0x0;
	v19 =	vor.u32 v10, v19;
	v17 =	vmul.f32 $1.442695020e+00, v17;
	v18 =	vmul.f32 $1.442695020e+00, v18  }
0x7e: {  	v13 =	vor.u32 v10, v13;
	v20 =	vmov s25  }
0x7f: {  	(erf) = vpow2.f32 v17;
	v17 =	vmul.u32 $0x440, v20  }
0x80: {  	v12 =	vmul.f32 $1.442695020e+00, v12  }
0x81: {  	s26 =	simm.s32 $0x2;
	s28 =	simm.s32 $0x3;
	(erf) = vpow2.f32 v18;
	v17 =	vbroadcast v17, $0x0;
	v18 =	vpop (erf)  }
0x82: {  	v19 =	vld.idx.msk [tilespmem:v19+s2+$0x0], $0xffff;
	v21 =	vmov s28;
	(erf) = vpow2.f32 v12;
	v12 =	vmov s26;
	v20 =	vpop (erf)  }
0x83: {  	v23 =	vld.idx.msk [tilespmem:v13+s2+$0x0], $0xffff;
	v24 =	vand.u32 $0x78, v21;
	v26 =	vand.u32 $0x78, v12;
	v25 =	vadd.s32 v4, v17;
	v22 =	vpop (erf)  }
0x84: {  	v12 =	vand.u32 $0x6, v12;
	v27 =	vadd.s32 v2, v17;
	v28 =	vadd.s32 v26, v25;
	(xrf1) =	vsort.dscd.msk.f32 $0xffff, v22, v7  }
0x85: {  	v13 =	vand.u32 $0x7, v21;
	v21 =	vadd.s32 v24, v27;
	v28 =	vor.u32 v12, v28  }
0x86: {  	v25 =	vadd.s32 v24, v25;
	v21 =	vor.u32 v13, v21  }
0x87: {  	v19 =	vmul.f32 $1.442695020e+00, v19;
	v25 =	vor.u32 v13, v25;
	(xrf1) =	vsort.dscd.msk.f32 $0xffff, v20, v6;
	_ =	sdelay $0x1  }
0x88: {  	v23 =	vmul.f32 $1.442695020e+00, v23  }
0x89: {  	v30 =	vadd.s32 v1, v17;
	v33 =	vadd.s32 v0, v17;
	v29 =	vpop (erf);
	(erf) = vpow2.f32 v19;
	v28 =	vld.idx.msk [tilespmem:v28+s2+$0x0], $0xffff  }
0x8a: {  	v31 =	vadd.s32 v24, v30;
	v34 =	vadd.s32 v24, v33;
	v19 =	vpop (erf);
	(xrf1) =	vsort.dscd.msk.f32 $0xffff, v29, v3;
	v35 =	vld.idx.msk [tilespmem:v21+s2+$0x0], $0xffff  }
0x8b: {  	v32 =	vpop (erf);
	(xrf1) =	vsort.dscd.msk.f32 $0xffff, v18, v7;
	(erf) = vpow2.f32 v23;
	v23 =	vld.idx.msk [tilespmem:v25+s2+$0x0], $0xffff;
	v25 =	vor.u32 v13, v34  }
0x8c: {  	v31 =	vor.u32 v13, v31;
	v21 =	vadd.s32 v26, v30  }
0x8d: {  	(xrf1) =	vsort.dscd.msk.f32 $0xffff, v32, v5;
	v30 =	vor.u32 v12, v21  }
0x8e: {  	v28 =	vmul.f32 $1.442695020e+00, v28  }
0x8f: {  	v14 =	vadd.s32 v9, v14  }
0x90: {  	v21 =	vadd.s32 v15, v14;
	v15 =	vmul.f32 $1.442695020e+00, v35;
	v25 =	vld.idx.msk [tilespmem:v25+s2+$0x0], $0xffff  }
0x91: {  	v17 =	vadd.s32 v9, v17;
	v14 =	vadd.s32 v16, v14;
	v16 =	vld.idx.msk [tilespmem:v31+s2+$0x0], $0xffff;
	(erf) = vpow2.f32 v28;
	v48, v47, _ =	vpop (xrf1)  }
0x92: {  	v29 =	vadd.f32 v32, v29;
	v23 =	vmul.f32 $1.442695020e+00, v23;
	v30 =	vld.idx.msk [tilespmem:v30+s2+$0x0], $0xffff;
	v28 =	vpop (erf);
	(erf) = vpow2.f32 v15  }
0x93: {  	v31 =	vadd.s32 v26, v33;
	v49 =	vperm.xlane v47, v8;
	v33 =	vperm.xlane v48, v8  }
0x94: {  	v20 =	vadd.f32 v20, v29;
	v51, v50, _ =	vpop (xrf1);
	(erf) = vpow2.f32 v23;
	v23 =	vor.u32 v12, v31  }
0x95: {  	v25 =	vmul.f32 $1.442695020e+00, v25;
	v29 =	vsel vm0, v51, v33;
	v31 =	vsel vm0, v50, v49  }
0x96: {  	v22 =	vadd.f32 v22, v20;
	v20 =	vmul.f32 $1.442695020e+00, v16;
	v15 =	vadd.s32 v24, v17;
	v24 =	vpop (erf)  }
0x97: {  	(xrf1) =	vsort.dscd.msk.f32 $0xffff, v24, v6;
	v16 =	vmul.f32 $1.442695020e+00, v30  }
0x98: {  	v52 =	vadd.f32 v19, v28;
	(erf) = vpow2.f32 v25;
	(xrf1) =	vsort.dscd.msk.f32 $0xffff, v29, v31;
	v29, v30, _ =	vpop (xrf1)  }
0x99: {  	s29 =	simm.s32 $0x0;
	v27 =	vadd.s32 v26, v27;
	(erf) = vpow2.f32 v16;
	v25, v31, _ =	vpop (xrf1)  }
0x9a: {  	(erf) = vpow2.f32 v20;
	(xrf1) =	vsort.dscd.msk.f32 $0xffff, v19, v5;
	v19 =	vadd.f32 v24, v52;
	v24 =	vmov s29;
	v20 =	vpop (erf)  }
0x9b: {  	v27 =	vor.u32 v12, v27;
	v16 =	vadd.s32 v26, v17;
	v24 =	vmul.u32 $0x440, v24;
	(xrf1) =	vsort.dscd.msk.f32 $0xffff, v28, v3;
	v33, v34, _ =	vpop (xrf1)  }
0x9c: {  	s30 =	simm.s32 $0x5;
	s31 =	simm.s32 $0x4;
	v19 =	vadd.f32 v18, v19;
	v18 =	vperm.xlane v33, v8;
	v26 =	vpop (erf);
	v28 =	vperm.xlane v34, v8  }
0x9d: {  	v53 =	vmov s30;
	v54 =	vmov s31;
	v23 =	vld.idx.msk [tilespmem:v23+s2+$0x0], $0xffff;
	v24 =	vbroadcast v24, $0x0;
	v55 =	vpop (erf)  }
0x9e: {  	v37 =	vand.u32 $0x78, v54;
	(xrf1) =	vsort.dscd.msk.f32 $0xffff, v55, v7;
	v28 =	vsel vm0, v30, v28;
	v29 =	vsel vm0, v29, v18  }
0x9f: {  	v32 =	vand.u32 $0x78, v53;
	v17 =	vand.u32 $0x7, v53;
	v36 =	vadd.s32 v4, v24;
	(xrf1) =	vsort.dscd.msk.f32 $0xffff, v29, v28  }
0xa0: {  	v27 =	vld.idx.msk [tilespmem:v27+s2+$0x0], $0xffff;
	v56 =	vadd.s32 v2, v24;
	v18 =	vand.u32 $0x6, v54;
	v38 =	vadd.s32 v32, v36  }
0xa1: {  	v58 =	vadd.s32 v1, v24;
	v28 =	vadd.s32 v37, v56;
	v30 =	vor.u32 v17, v38  }
0xa2: {  	(xrf2) =	vadd.scan.msk.f32 $0xffff, v19;
	v19 =	vmul.f32 $1.442695020e+00, v23;
	v23 =	vor.u32 v18, v28;
	v28 =	vadd.s32 v32, v58  }
0xa3: {  	v31 =	vperm.xlane v31, v8;
	v28 =	vor.u32 v17, v28  }
0xa4: {  	v40 =	vperm.xlane v25, v8;
	v57 =	vadd.s32 v32, v56;
	v59 =	vadd.s32 v37, v36  }
0xa5: {  	v27 =	vmul.f32 $1.442695020e+00, v27;
	v60 =	vpop (erf);
	v33 =	vadd.s32 v37, v58;
	v29 =	vor.u32 v17, v57;
	(xrf1) =	vsort.dscd.msk.f32 $0xffff, v26, v6  }
0xa6: {  	(erf) = vpow2.f32 v19;
	v19 =	vadd.s32 v0, v24;
	v35 =	vor.u32 v18, v59;
	v25 =	vpop (erf);
	v30 =	vld.idx.msk [tilespmem:v30+s2+$0x0], $0xffff  }
0xa7: {  	v41 =	vadd.s32 v37, v19;
	v19 =	vadd.s32 v32, v19;
	v63 =	vpop (erf);
	(erf) = vpow2.f32 v27;
	v23 =	vld.idx.msk [tilespmem:v23+s2+$0x0], $0xffff  }
0xa8: {  	v27 =	vadd.s32 v9, v24;
	v45 =	vor.u32 v17, v19;
	v24 =	vadd.f32 v63, v60;
	v61, v39, _ =	vpop (xrf1);
	v28 =	vld.idx.msk [tilespmem:v28+s2+$0x0], $0xffff  }
0xa9: {  	(xrf1) =	vsort.dscd.msk.f32 $0xffff, v60, v3;
	v31 =	vsel vm0, v39, v31;
	v38 =	vsel vm0, v61, v40;
	v42, v43, _ =	vpop (xrf1)  }
0xaa: {  	v33 =	vor.u32 v18, v33;
	(xrf1) =	vsort.dscd.msk.f32 $0xffff, v38, v31;
	v62, v44, _ =	vpop (xrf1)  }
0xab: {  	(xrf2) =	vadd.scan.msk.f32 $0xffff, v22;
	v41 =	vor.u32 v18, v41;
	v22 =	vadd.f32 v26, v24;
	v19 =	vperm.xlane v62, v8;
	v50, v49, _ =	vpop (xrf1)  }
0xac: {  	v29 =	vld.idx.msk [tilespmem:v29+s2+$0x0], $0xffff;
	(xrf1) =	vsort.dscd.msk.f32 $0xffff, v20, v7;
	v48 =	vperm.xlane v44, v8;
	v24 =	vmul.f32 $1.442695020e+00, v23;
	v52, v23, _ =	vpop (xrf1)  }
0xad: {  	v35 =	vld.idx.msk [tilespmem:v35+s2+$0x0], $0xffff;
	v22 =	vadd.f32 v55, v22;
	v46 =	vmul.f32 $1.442695020e+00, v30;
	v30 =	vmul.f32 $1.442695020e+00, v28;
	v28, v55, _ =	vpop (xrf1);
	(xrf1) =	vsort.dscd.msk.f32 $0xffff, v63, v5  }
0xae: {  	v51 =	vld.idx.msk [tilespmem:v45+s2+$0x0], $0xffff;
	v26, _, _ =	vpop (xrf2);
	v36 =	vsel vm0, v50, v19;
	v31 =	vsel vm0, v49, v48  }
0xaf: {  	v26 =	vbroadcast v26, $0xF;
	(xrf1) =	vsort.dscd.msk.f32 $0xffff, v36, v31  }
0xb0: {  	v43 =	vperm.xlane v43, v8;
	v57 =	vperm.xlane v42, v8;
	v53 =	vld.idx.msk [tilespmem:v41+s2+$0x0], $0xffff  }
0xb1: {  	v33 =	vld.idx.msk [tilespmem:v33+s2+$0x0], $0xffff;
	v19 =	vadd.s32 v32, v27;
	v29 =	vmul.f32 $1.442695020e+00, v29;
	(erf) = vrcp.f32 v26  }
0xb2: {  	v54 =	vperm.xlane v23, v8;
	v23 =	vadd.s32 v37, v27;
	v27 =	vmul.f32 $1.442695020e+00, v35  }
0xb3: {  	v26 =	vpop (erf);
	v58 =	vmul.f32 $1.442695020e+00, v51;
	v56 =	vperm.xlane v52, v8  }
0xb4: {  	v59 =	vadd.f32 v25, v26;
	v62 =	vpop (erf);
	v35 =	vsel vm0, v55, v43;
	(erf) = vpow2.f32 v27  }
0xb5: {  	v60, v61, _ =	vpop (xrf1);
	v63 =	vsel vm0, v28, v57;
	v31 =	vmul.f32 $1.442695020e+00, v53;
	(erf) = vpow2.f32 v29  }
0xb6: {  	v27 =	vmul.f32 $1.442695020e+00, v33;
	v28 =	vadd.f32 v62, v59;
	(xrf1) =	vsort.dscd.msk.f32 $0xffff, v63, v35;
	v33, _, _ =	vpop (xrf2);
	(erf) = vpow2.f32 v46  }
0xb7: {  	s19 =	simm.s32 $0x6;
	v34 =	vsel vm0, v60, v56;
	v35 =	vsel vm0, v61, v54;
	(xrf1) =	vsort.dscd.msk.f32 $0xffff, v62, v6;
	v29, v32, _ =	vpop (xrf1);
	(erf) = vpow2.f32 v58  }
.LBB2_18:
0xb8: {  	s20 =	sshrl.u32 s19, $0x7;
	(erf) = vpow2.f32 v27;
	(xrf1) =	vsort.dscd.msk.f32 $0xffff, v34, v35;
	v27 =	vor.u32 v10, v14;
	v34, v35, _ =	vpop (xrf1)  }
0xb9: {  	s21 =	sadd.s32 $0x1, s19;
	v33 =	vbroadcast v33, $0xF;
	v10 =	vmovc v12;
	v12 =	vmovc v18;
	v14 =	vmov v16;
	v16 =	vmov v23;
	s22 =	smov.u32 s19;
	s18 =	sadd.s32 $0x2, s19  }
0xba: {  	p0 =	slt.u32 s19, $0x3FE;
	v18 =	vmov s20;
	v23 =	vmov s21;
	(xrf1) =	vsort.dscd.msk.f32 $0xffff, v25, v5;
	v36, v37, _ =	vpop (xrf1);
	v25 =	vperm.xlane v34, v8  }
0xbb: {  	v18 =	vmul.u32 $0x440, v18;
	v34 =	vand.u32 $0x7, v23;
	(erf) = vpow2.f32 v30;
	v30, v38, _ =	vpop (xrf1)  }
0xbc: {  	v39 =	vadd.f32 v20, v28;
	v35 =	vperm.xlane v35, v8;
	v30 =	vperm.xlane v30, v8;
	v40 =	vpop (erf)  }
0xbd: {  	v28 =	vor.u32 v11, v21;
	v41 =	vbroadcast v18, $0x0;
	v18 =	vperm.xlane v38, v8;
	(xrf1) =	vsort.dscd.msk.f32 $0xffff, v26, v3;
	v11, v21, _ =	vpop (xrf1)  }
0xbe: {  	v23 =	vand.u32 $0x78, v23;
	v26 =	vmov s22;
	v20 =	vpop (erf);
	v11 =	vsel vm0, v11, v25  }
0xbf: {  	v21 =	vsel vm0, v21, v35;
	v38 =	vadd.s32 v2, v41;
	v25 =	vadd.s32 v4, v41;
	v42 =	vpop (erf)  }
0xc0: {  	v35 =	vand.u32 $0x78, v26;
	v43 =	vadd.s32 v23, v25;
	(erf) = vpow2.f32 v31;
	v31 =	vpop (erf);
	(xrf1) =	vsort.dscd.msk.f32 $0xffff, v11, v21  }
0xc1: {  	v32 =	vsel vm0, v32, v18;
	v21 =	vadd.s32 v35, v25;
	v43 =	vor.u32 v34, v43;
	v44 =	vpop (erf)  }
0xc2: {  	v18 =	vand.u32 $0x6, v26;
	v26 =	vperm.xlane v37, v8;
	v45 =	vadd.s32 v23, v38;
	v25 =	vpop (erf);
	(xrf1) =	vsort.dscd.msk.f32 $0xffff, v31, v7  }
0xc3: {  	v29 =	vsel vm0, v29, v30;
	v46 =	vadd.s32 v35, v38;
	v38 =	vor.u32 v34, v45;
	v11 =	vmovc v13  }
0xc4: {  	v13 =	vadd.s32 v1, v41;
	v30 =	vor.u32 v18, v46;
	v37 =	vpop (erf);
	(xrf1) =	vsort.dscd.msk.f32 $0xffff, v29, v32;
	(erf) = vrcp.f32 v33  }
0xc5: {  	v29 =	vadd.s32 v0, v41;
	v32 =	vadd.s32 v23, v13;
	v33 =	vperm.xlane v36, v8;
	(xrf2) =	vadd.scan.msk.f32 $0xffff, v39;
	v36, v39, _ =	vpop (xrf1)  }
0xc6: {  	v45 =	vadd.s32 v35, v29;
	v32 =	vor.u32 v34, v32;
	v43 =	vld.idx.msk [tilespmem:v43+s2+$0x0], $0xffff;
	(xrf1) =	vsort.dscd.msk.f32 $0xffff, v42, v6;
	v46, v47, _ =	vpop (xrf1)  }
0xc7: {  	v21 =	vor.u32 v18, v21;
	v13 =	vadd.s32 v35, v13;
	v47 =	vsel vm0, v47, v26;
	v48, v49, _ =	vpop (xrf1)  }
0xc8: {  	v50 =	vor.u32 v18, v13;
	v53 =	vadd.s32 v23, v29;
	v29 =	vld.idx.msk [tilespmem:v38+s2+$0x0], $0xffff;
	(xrf1) =	vsort.dscd.msk.f32 $0xffff, v44, v3;
	v38, v51, _ =	vpop (xrf1)  }
0xc9: {  	v45 =	vor.u32 v18, v45;
	v52 =	vor.u32 v34, v53;
	v53 =	vsel vm0, v46, v33;
	v30 =	vld.idx.msk [tilespmem:v30+s2+$0x0], $0xffff;
	v26 =	vpop (erf)  }
0xca: {  	v13 =	vmovc v17;
	v33 =	vperm.xlane v38, v8;
	v38 =	vperm.xlane v51, v8;
	(xrf1) =	vsort.dscd.msk.f32 $0xffff, v53, v47  }
0xcb: {  	v41 =	vadd.s32 v9, v41;
	v51 =	vadd.f32 v37, v44;
	v32 =	vld.idx.msk [tilespmem:v32+s2+$0x0], $0xffff;
	(xrf1) =	vsort.dscd.msk.f32 $0xffff, v20, v7;
	v44, v46, _ =	vpop (xrf1)  }
0xcc: {  	v43 =	vmul.f32 $1.442695020e+00, v43;
	v47 =	vld.idx.msk [tilespmem:v21+s2+$0x0], $0xffff;
	(erf) = vpow2.f32 v24;
	(xrf1) =	vsort.dscd.msk.f32 $0xffff, v37, v5;
	v21 =	vsel vm0, v44, v33  }
0xcd: {  	v33 =	vadd.s32 v23, v41;
	v23 =	vadd.f32 v42, v51;
	v42 =	vsel vm0, v46, v38;
	(xrf2) =	vadd.scan.msk.f32 $0xffff, v22;
	v22 =	vpop (erf)  }
0xce: {  	v17 =	vmov v34;
	v29 =	vmul.f32 $1.442695020e+00, v29;
	v37 =	vld.idx.msk [tilespmem:v52+s2+$0x0], $0xffff;
	(xrf1) =	vsort.dscd.msk.f32 $0xffff, v21, v42;
	v44 =	vmul.f32 v36, v22;
	v24, v36, _ =	vpop (xrf1)  }
0xcf: {  	v22 =	vadd.f32 v31, v23;
	v31 =	vperm.xlane v49, v8;
	v34 =	vld.idx.msk [tilespmem:v50+s2+$0x0], $0xffff;
	v38, _, _ =	vpop (xrf2);
	v46 =	vmul.f32 v24, v40  }
0xd0: {  	v23 =	vadd.s32 v35, v41;
	v24 =	vmul.f32 $1.442695020e+00, v30;
	v42 =	vld.idx.msk [tilespmem:v45+s2+$0x0], $0xffff;
	v35, v41, _ =	vpop (xrf1);
	v45 =	vbroadcast v38, $0xF;
	[tilespmem:v28+s15+$0x0] =	vst.idx.msk $0xff, v44  }
0xd1: {  	v21 =	vmovc v15;
	v15 =	vmov v19;
	v30 =	vmul.f32 $1.442695020e+00, v32;
	v41 =	vperm.xlane v41, v8;
	[tilespmem:v27+s15+$0x0] =	vst.idx.msk $0xff, v46  }
0xd2: {  	v19 =	vmov v33;
	v46 =	vmul.f32 $1.442695020e+00, v47;
	(erf) = vrcp.f32 v45;
	v38, v40, _ =	vpop (xrf1);
	[tilespmem:v27+s16+$0x0] =	vst.idx.msk $0xff, v36  }
.Ltmp8:
0xd3: {  	v33 =	vperm.xlane v35, v8;
	v35 =	vperm.xlane v48, v8;
	v36 =	vsel vm0, v40, v31;
	(pc) =	sbr.rel @p0 .LBB2_18-.Ltmp8, $4  }
0xd4: {  	v45 =	vadd.f32 v25, v26;
	v37 =	vmul.f32 $1.442695020e+00, v37;
	(erf) = vpow2.f32 v46;
	v40, v44, _ =	vpop (xrf1);
	[tilespmem:v28+s16+$0x0] =	vst.idx.msk $0xff, v39  }
0xd5: {  	v27 =	vmul.f32 $1.442695020e+00, v34;
	v34 =	vsel vm0, v38, v35;
	(erf) = vpow2.f32 v29;
	v39 =	vpop (erf)  }
0xd6: {  	v31 =	vmul.f32 $1.442695020e+00, v42;
	(erf) = vpow2.f32 v43;
	v28 =	vadd.f32 v39, v45;
	v29, v32, _ =	vpop (xrf1);
	(xrf1) =	vsort.dscd.msk.f32 $0xffff, v34, v36  }
0xd7: {  	s19 =	smov.u32 s18;
	v35 =	vsel vm0, v44, v41;
	v34 =	vsel vm0, v40, v33;
	(erf) = vpow2.f32 v37;
	(xrf1) =	vsort.dscd.msk.f32 $0xffff, v39, v6;
	v33, _, _ =	vpop (xrf2)  }
0xd8: {  	v36, v37, _ =	vpop (xrf1)  }
0xd9: {  	v38, v39, _ =	vpop (xrf1)  }
0xda: {  	(xrf1) =	vsort.dscd.msk.f32 $0xffff, v34, v35;
	v34, v35, _ =	vpop (xrf1)  }
0xdb: {  	(erf) = vpow2.f32 v27;
	(xrf1) =	vsort.dscd.msk.f32 $0xffff, v25, v5;
	v42 =	vperm.xlane v36, v8;
	v25 =	vpop (erf)  }
0xdc: {  	v43 =	vperm.xlane v37, v8;
	(erf) = vpow2.f32 v30;
	v44, v45, _ =	vpop (xrf1)  }
0xdd: {  	(xrf1) =	vsort.dscd.msk.f32 $0xffff, v26, v3;
	v34 =	vperm.xlane v34, v8;
	v26 =	vpop (erf)  }
0xde: {  	v35 =	vperm.xlane v35, v8;
	v27 =	vsel vm0, v44, v42;
	v30 =	vsel vm0, v45, v43;
	v36 =	vpop (erf)  }
0xdf: {  	v47 =	vbroadcast v33, $0xF;
	(xrf1) =	vsort.dscd.msk.f32 $0xffff, v27, v30;
	v37 =	vpop (erf)  }
0xe0: {  	v46 =	vsel vm0, v32, v35;
	v29 =	vsel vm0, v29, v34;
	(erf) = vpow2.f32 v31;
	(xrf1) =	vsort.dscd.msk.f32 $0xffff, v37, v7  }
0xe1: {  	(xrf1) =	vsort.dscd.msk.f32 $0xffff, v29, v46  }
0xe2: {  	v27 =	vpop (erf);
	(erf) = vrcp.f32 v47;
	(xrf1) =	vsort.dscd.msk.f32 $0xffff, v36, v6;
	_ =	sdelay $0x1  }
0xe3: {  	v29 =	vpop (erf)  }
0xe4: {  	v30 =	vpop (erf)  }
0xe5: {  	v38 =	vperm.xlane v38, v8;
	v31, v32, _ =	vpop (xrf1)  }
0xe6: {  	v48 =	vperm.xlane v39, v8;
	v50, v49, _ =	vpop (xrf1)  }
0xe7: {  	(erf) = vpow2.f32 v24;
	v51, v40, _ =	vpop (xrf1);
	v34 =	vsel vm0, v50, v38  }
0xe8: {  	v33 =	vsel vm0, v49, v48;
	v35 =	vpop (erf)  }
0xe9: {  	v52, v41, _ =	vpop (xrf1)  }
0xea: {  	(xrf1) =	vsort.dscd.msk.f32 $0xffff, v27, v3;
	v24 =	vperm.xlane v52, v8;
	v53 =	vperm.xlane v41, v8;
	v41 =	vpop (erf)  }
0xeb: {  	(xrf1) =	vsort.dscd.msk.f32 $0xffff, v34, v33;
	v33, v34, _ =	vpop (xrf1)  }
0xec: {  	v39 =	vperm.xlane v51, v8;
	(xrf1) =	vsort.dscd.msk.f32 $0xffff, v26, v7;
	v24 =	vsel vm0, v33, v24;
	v33, v42, _ =	vpop (xrf1)  }
0xed: {  	v54 =	vperm.xlane v40, v8;
	(xrf1) =	vsort.dscd.msk.f32 $0xffff, v30, v5;
	v34 =	vsel vm0, v34, v53;
	v55, v43, _ =	vpop (xrf1)  }
0xee: {  	(xrf1) =	vsort.dscd.msk.f32 $0xffff, v24, v34;
	v56 =	vperm.xlane v43, v8;
	v57, v58, _ =	vpop (xrf1)  }
0xef: {  	v40 =	vperm.xlane v55, v8;
	v38 =	vsel vm0, v58, v54;
	v59, v44, _ =	vpop (xrf1);
	v34 =	vsel vm0, v57, v39  }
0xf0: {  	v39 =	vpop (erf);
	(xrf1) =	vsort.dscd.msk.f32 $0xffff, v34, v38  }
0xf1: {  	v60 =	vsel vm0, v59, v40;
	v24 =	vsel vm0, v44, v56;
	(xrf1) =	vsort.dscd.msk.f32 $0xffff, v39, v6  }
0xf2: {  	(xrf1) =	vsort.dscd.msk.f32 $0xffff, v60, v24  }
0xf3: {  	(xrf1) =	vsort.dscd.msk.f32 $0xffff, v29, v5;
	_ =	sdelay $0x1  }
0xf4: {  	(xrf1) =	vsort.dscd.msk.f32 $0xffff, v35, v3;
	_ =	sdelay $0x3  }
0xf5: {  	v24, v34, _ =	vpop (xrf1)  }
0xf6: {  	v61, v62, _ =	vpop (xrf1)  }
0xf7: {  	v63, v52, _ =	vpop (xrf1)  }
0xf8: {  	v38 =	vperm.xlane v61, v8;
	v40 =	vperm.xlane v62, v8;
	v45, v46, _ =	vpop (xrf1)  }
0xf9: {  	v45 =	vperm.xlane v45, v8;
	v46 =	vperm.xlane v46, v8;
	v47, v48, _ =	vpop (xrf1)  }
0xfa: {  	v53 =	vperm.xlane v52, v8;
	v38 =	vsel vm0, v47, v38;
	v40 =	vsel vm0, v48, v40;
	v47, v48, _ =	vpop (xrf1)  }
0xfb: {  	v34 =	vsel vm0, v34, v46;
	v24 =	vsel vm0, v24, v45;
	(xrf1) =	vsort.dscd.msk.f32 $0xffff, v38, v40;
	v54, v55, _ =	vpop (xrf1)  }
0xfc: {  	v43 =	vperm.xlane v63, v8;
	(xrf1) =	vsort.dscd.msk.f32 $0xffff, v24, v34;
	v57, v56, _ =	vpop (xrf1)  }
0xfd: {  	v20 =	vadd.f32 v20, v28;
	v62 =	vadd.f32 v29, v35;
	v58 =	vsel vm0, v55, v53;
	v60, v59, _ =	vpop (xrf1)  }
0xfe: {  	v61 =	vsel vm0, v54, v43;
	v28 =	vperm.xlane v60, v8;
	v34 =	vperm.xlane v59, v8  }
0xff: {  	(xrf1) =	vsort.dscd.msk.f32 $0xffff, v61, v58;
	v24, v38, _ =	vpop (xrf1)  }
0x100: {  	(xrf2) =	vadd.scan.msk.f32 $0xffff, v20;
	v20 =	vadd.f32 v39, v62;
	v24 =	vsel vm0, v24, v28;
	v63 =	vsel vm0, v38, v34  }
0x101: {  	v34 =	vadd.f32 v30, v27;
	(xrf1) =	vsort.dscd.msk.f32 $0xffff, v24, v63  }
0x102: {  	(xrf2) =	vadd.scan.msk.f32 $0xffff, v22;
	v20 =	vadd.f32 v26, v20  }
0x103: {  	v24 =	vadd.f32 v36, v34  }
0x104: {  	(xrf2) =	vadd.scan.msk.f32 $0xffff, v20  }
0x105: {  	v35 =	vadd.f32 v37, v24;
	_ =	sdelay $0x1  }
0x106: {  	(xrf2) =	vadd.scan.msk.f32 $0xffff, v35;
	_ =	sdelay $0x1  }
0x107: {  	v43 =	vperm.xlane v57, v8;
	v37, v24, _ =	vpop (xrf1)  }
0x108: {  	v38 =	vperm.xlane v56, v8;
	v40, v39, _ =	vpop (xrf1)  }
0x109: {  	v36, _, _ =	vpop (xrf2);
	v27 =	vsel vm0, v40, v43  }
0x10a: {  	v46, _, _ =	vpop (xrf2);
	v26 =	vsel vm0, v39, v38  }
0x10b: {  	v20 =	vbroadcast v36, $0xF;
	v45, v44, _ =	vpop (xrf1)  }
0x10c: {  	v51, _, _ =	vpop (xrf2);
	(xrf1) =	vsort.dscd.msk.f32 $0xffff, v27, v26;
	v28 =	vperm.xlane v45, v8;
	v49 =	vperm.xlane v44, v8  }
0x10d: {  	v50 =	vbroadcast v46, $0xF;
	(erf) = vrcp.f32 v20;
	v26, v27, _ =	vpop (xrf1)  }
0x10e: {  	v20 =	vbroadcast v51, $0xF;
	v26 =	vsel vm0, v26, v28;
	v27 =	vsel vm0, v27, v49  }
0x10f: {  	(erf) = vrcp.f32 v50;
	v52, _, _ =	vpop (xrf2);
	(xrf1) =	vsort.dscd.msk.f32 $0xffff, v26, v27  }
0x110: {  	(erf) = vrcp.f32 v20;
	v53 =	vbroadcast v52, $0xF  }
0x111: {  	v11 =	vor.u32 v11, v21  }
0x112: {  	(erf) = vrcp.f32 v53  }
0x113: {  	v10 =	vor.u32 v10, v14  }
0x114: {  	v54 =	vmul.f32 v31, v41  }
0x115: {  	v12 =	vor.u32 v12, v16  }
0x116: {  	v13 =	vor.u32 v13, v15;
	v55 =	vmul.f32 v33, v25;
	[tilespmem:v11+s15+$0x0] =	vst.idx.msk $0xff, v54;
	v56 =	vpop (erf)  }
0x117: {  	[tilespmem:v11+s16+$0x0] =	vst.idx.msk $0xff, v32;
	v11 =	vmul.f32 v37, v56  }
0x118: {  	[tilespmem:v10+s15+$0x0] =	vst.idx.msk $0xff, v55;
	v57 =	vpop (erf)  }
0x119: {  	v59 =	vor.u32 v17, v19;
	[tilespmem:v10+s16+$0x0] =	vst.idx.msk $0xff, v42;
	v10 =	vmul.f32 v47, v57;
	v58 =	vpop (erf)  }
0x11a: {  	[tilespmem:v12+s15+$0x0] =	vst.idx.msk $0xff, v11;
	v60, v61, _ =	vpop (xrf1)  }
0x11b: {  	[tilespmem:v13+s15+$0x0] =	vst.idx.msk $0xff, v10;
	v10 =	vor.u32 v18, v23;
	v11 =	vpop (erf)  }
0x11c: {  	[tilespmem:v12+s16+$0x0] =	vst.idx.msk $0xff, v24;
	v11 =	vmul.f32 v60, v11  }
0x11d: {  	[tilespmem:v13+s16+$0x0] =	vst.idx.msk $0xff, v48;
	v62, v63, _ =	vpop (xrf1)  }
0x11e: {  	[tilespmem:v59+s15+$0x0] =	vst.idx.msk $0xff, v11;
	v12 =	vmul.f32 v62, v58  }
0x11f: {  	[tilespmem:v59+s16+$0x0] =	vst.idx.msk $0xff, v61  }
0x120: {  	s18 =	simm.s32 $0x11000;
	[tilespmem:v10+s15+$0x0] =	vst.idx.msk $0xff, v12  }
0x121: {  	s19 =	simm.s32 $0x10;
	s21 =	sadd.s32 $0x0, s11;
	s20 =	simm.s32 $0x11088;
	[tilespmem:v10+s16+$0x0] =	vst.idx.msk $0xff, v63  }
.LBB2_20:
0x122: {  	[hbm4b:s21+s2] =	stream.linear.scatter [tilespmem:s18], [sflag:$0x1], $0x80, $0x38;
	[tilespmem:$0x15400] =	vst v63  }
0x123: {  	s21 =	smov.u32 s19;
	s18 =	smov.u32 s20;
	p0 =	sne.s32 s19, $0x3F0  }
.Ltmp9:
0x124: {  	s19 =	sadd.s32 $0x10, s19;
	(pc) =	sbr.rel @p0 .LBB2_20-.Ltmp9, $2  }
0x125: {  	_ =	sdelay $0x2  }
0x126: {  	s20 =	sadd.s32 $0x88, s20;
	s21 =	sadd.s32 s21, s11  }
0x127: {  	[hbm4b:s21+s2] =	stream.linear.scatter [tilespmem:s18], [sflag:$0x1], $0x80, $0x38;
	[tilespmem:$0x15400] =	vst v63  }
0x128: {  	_ =	swait.ge [sflag:s14], $0x2000  }
0x129: {  	s18 =	simm.s32 $0x13200;
	s19 =	simm.s32 $0x10;
	[sflag:s14] =	ssyncset.done $0x0  }
0x12a: {  	s21 =	sadd.s32 $0x0, s12;
	s20 =	simm.s32 $0x13288;
	[sflag:s14] =	ssyncadd.s32 $0xFFFFE000  }
.LBB2_22:
0x12b: {  	[hbm4b:s21+s2] =	stream.linear.scatter [tilespmem:s18], [sflag:$0x1], $0x80, $0x38;
	[tilespmem:$0x15400] =	vst v63  }
0x12c: {  	s21 =	smov.u32 s19;
	s18 =	smov.u32 s20;
	p0 =	sne.s32 s19, $0x3F0  }
.Ltmp10:
0x12d: {  	s19 =	sadd.s32 $0x10, s19;
	(pc) =	sbr.rel @p0 .LBB2_22-.Ltmp10, $2  }
0x12e: {  	_ =	sdelay $0x2  }
0x12f: {  	s20 =	sadd.s32 $0x88, s20;
	s21 =	sadd.s32 s21, s12  }
0x130: {  	s17 =	sadd.s32 $0x1, s17  }
0x131: {  	p0 =	sne.s32 s17, s13  }
.Ltmp11:
0x132: {  	_ = 	snop;
	(pc) =	sbr.rel @p0 .LBB2_1-.Ltmp11, $4  }
0x133: {  	[hbm4b:s21+s2] =	stream.linear.scatter [tilespmem:s18], [sflag:$0x1], $0x80, $0x38;
	[tilespmem:$0x15400] =	vst v63  }
0x134: {  	_ =	swait.ge [sflag:s14], $0x2000  }
0x135: {  	[sflag:s14] =	ssyncset.done $0x0  }
0x136: {  	[sflag:s14] =	ssyncadd.s32 $0xFFFFE000  }
0x137: {  	_ =	sfence.sel $0x180000  }
0x138: {  	[bflag:$0x0] =	sbarrier.arrive $0xFFFF  }
0x139: {  	p0 =	sne.s32 s1, $0x0;
	_ =	strace $0x90000047  }
0x13a: {  	s0 =	sadd.s32 @!p0 $0x100000, s0;
	[bflag:$0x2] =	sbarrier.arrive $0xFFFF  }
0x13b: {  	[sflag:s0] =	ssyncadd.tile.s32 @!p0 $0x1;
	_ =	shalt  }
.Lfunc_end2:
_tile_overlayer_lowered:
.L_overlay_start_2:
0x13c: {  	(tag) =	ssettag $0x2  }
0x13d: {  	s0 =	rddreg [dreg:$0x0];
	s2 =	stileid.u32  }
0x13e: {  	s1 =	rddreg [dreg:$0x1];
	p0 =	sne.s32 s2, $0x0  }
0x13f: {  	s3 =	rddreg [dreg:$0x2];
	[bflag:$0x3] =	sbarrier.arrive $0xFFFF;
	s2 =	simm.s32 @!p0 $0x1C01  }
0x140: {  	[timem:s3], [sflag:s2] =	dma.local @!p0 [hbm:s0], s1  }
0x141: {  	s0 =	simm.s32 @!p0 $0x1  }
0x142: {  	_ =	swait.ge @!p0 [sflag:s0], s1  }
0x143: {  	s1 =	ssub.s32 @!p0 $0x0, s1;
	[sflag:s0] =	ssyncset.done @!p0 $0x0  }
0x144: {  	[sflag:s0] =	ssyncadd.s32 @!p0 s1  }
0x145: {  	[bflag:$0x3] =	sbarrier.arrive $0xFFFF  }
0x146: {  	_ =	shalt  }

</sc_bundles>
